<compile_context>
chip_gen: v7x
topology: tpu7x:2x2x1
jax: 0.10.2.dev20260603
libtpu: 0.0.44.dev20260713+nightly
codegen_flags: <defaults>
</compile_context>

<pallas_src>
import functools

import jax
import jax.numpy as jnp
from jax import lax
from jax.experimental import pallas as pl
from jax.experimental.pallas import tpu as pltpu
from jax.experimental.pallas import tpu_sc as plsc

K = 64
V = 100000
D = 4096
NTOK = 524288
ETA_VAR = 0.05
SGLD_A = 0.01
SGLD_B = 1.0
SGLD_C = 0.55
ZERO = 1e-06

NC = 2
NS = 16
NW = NC * NS
L = 16

TOK_W = NTOK // NW
DK = D * K
SH_W = DK // NS

_mesh = plsc.VectorSubcoreMesh(core_axis_name="c", subcore_axis_name="s")


def _jexp(x):
    return jnp.maximum(jnp.exp(jnp.clip(x, -700.0, 700.0)), ZERO)


@functools.partial(
    pl.kernel,
    out_type=jax.ShapeDtypeStruct((NC, DK), jnp.float32),
    mesh=_mesh,
    scratch_types=[
        pltpu.VMEM((TOK_W,), jnp.int32),
        pltpu.VMEM((TOK_W,), jnp.int32),
        pltpu.VMEM((TOK_W,), jnp.int32),
        pltpu.VMEM((TOK_W,), jnp.float32),
        pltpu.VMEM_SHARED((DK,), jnp.float32),
    ],
)
def _sc_cdk(doc_hbm, z_hbm, out_hbm, doc_v, z_v, idx_v, val_v, shared):
    cid = lax.axis_index("c")
    sid = lax.axis_index("s")
    wid = sid * NC + cid
    base = wid * TOK_W

    def _zero(i, _):
        val_v[pl.ds(i * L, L)] = jnp.zeros((L,), jnp.float32)
        return 0
    lax.fori_loop(0, TOK_W // L, _zero, 0)
    pltpu.sync_copy(val_v, shared.at[pl.ds(sid * SH_W, SH_W)])
    plsc.subcore_barrier()

    pltpu.sync_copy(doc_hbm.at[pl.ds(base, TOK_W)], doc_v)
    pltpu.sync_copy(z_hbm.at[pl.ds(base, TOK_W)], z_v)

    def _mkidx(i, _):
        s = pl.ds(i * L, L)
        idx_v[s] = doc_v[s] * K + z_v[s]
        val_v[s] = jnp.full((L,), 1.0, jnp.float32)
        return 0
    lax.fori_loop(0, TOK_W // L, _mkidx, 0)

    pltpu.sync_copy(val_v, shared.at[idx_v], add=True)
    plsc.subcore_barrier()

    sh = pl.ds(sid * SH_W, SH_W)
    pltpu.sync_copy(shared.at[sh], val_v)
    pltpu.sync_copy(val_v, out_hbm.at[cid].at[sh])


_EPS = SGLD_A * (SGLD_B + 1.0) ** (-SGLD_C)
_BD = 512


def _eta_body(eta_ref, alpha_ref, cdk_ref, xi_ref, out_ref):
    eta = eta_ref[...]
    cdk = cdk_ref[0] + cdk_ref[1]
    nd = jnp.sum(cdk, axis=1, keepdims=True)
    m = jnp.max(eta, axis=1, keepdims=True)
    ex = jnp.exp(eta - m)
    sm = ex / jnp.sum(ex, axis=1, keepdims=True)
    prior = (alpha_ref[...] - eta) / ETA_VAR
    grad = cdk - nd * sm
    out_ref[...] = eta + (_EPS / 2.0) * (grad + prior) + xi_ref[...]


def _tc_eta(eta, alpha, cdk2, xi):
    return pl.pallas_call(
        _eta_body,
        grid=(D // _BD,),
        in_specs=[
            pl.BlockSpec((_BD, K), lambda i: (i, 0)),
            pl.BlockSpec((1, K), lambda i: (0, 0)),
            pl.BlockSpec((NC, _BD, K), lambda i: (0, i, 0)),
            pl.BlockSpec((_BD, K), lambda i: (i, 0)),
        ],
        out_specs=pl.BlockSpec((_BD, K), lambda i: (i, 0)),
        out_shape=jax.ShapeDtypeStruct((D, K), jnp.float32),
    )(eta, alpha.reshape(1, K), cdk2, xi)


C = 4096
NCH = TOK_W // C
C3 = 3 * C


@functools.partial(
    pl.kernel,
    out_type=jax.ShapeDtypeStruct((NTOK,), jnp.float32),
    mesh=_mesh,
    scratch_types=[
        pltpu.VMEM((C,), jnp.int32),
        pltpu.VMEM((C,), jnp.int32),
        pltpu.VMEM((C,), jnp.int32),
        pltpu.VMEM((C,), jnp.int32),
        pltpu.VMEM((C,), jnp.int32),
        pltpu.VMEM((C,), jnp.float32),
        pltpu.VMEM((C,), jnp.float32),
        pltpu.VMEM((C3,), jnp.int32),
        pltpu.VMEM((C3,), jnp.int32),
        pltpu.VMEM((C3,), jnp.float32),
        pltpu.VMEM((C3,), jnp.float32),
        pltpu.VMEM((C,), jnp.float32),
        pltpu.SemaphoreType.DMA,
    ],
)
def _sc_tokens(phi_hbm, eta_hbm, w_hbm, d_hbm, zo_hbm, p1_hbm, p2_hbm,
               u1_hbm, u2_hbm, out_hbm,
               w_v, d_v, zo_v, p1_v, p2_v, u1_v, u2_v,
               pidx_v, eidx_v, pg_v, eg_v, o_v, sem):
    cid = lax.axis_index("c")
    sid = lax.axis_index("s")
    wid = sid * NC + cid
    base = wid * TOK_W

    def _chunk(ch, _):
        off = base + ch * C
        s_in = pl.ds(off, C)
        pltpu.sync_copy(w_hbm.at[s_in], w_v)
        pltpu.sync_copy(d_hbm.at[s_in], d_v)
        pltpu.sync_copy(zo_hbm.at[s_in], zo_v)
        pltpu.sync_copy(p1_hbm.at[s_in], p1_v)
        pltpu.sync_copy(p2_hbm.at[s_in], p2_v)
        pltpu.sync_copy(u1_hbm.at[s_in], u1_v)
        pltpu.sync_copy(u2_hbm.at[s_in], u2_v)

        def _mkidx(i, _):
            s = pl.ds(i * L, L)
            s1 = pl.ds(C + i * L, L)
            s2 = pl.ds(2 * C + i * L, L)
            wK = w_v[s] * K
            dK = d_v[s] * K
            pidx_v[s] = wK + zo_v[s]
            pidx_v[s1] = wK + p1_v[s]
            pidx_v[s2] = wK + p2_v[s]
            eidx_v[s] = dK + zo_v[s]
            eidx_v[s1] = dK + p1_v[s]
            eidx_v[s2] = dK + p2_v[s]
            return 0
        lax.fori_loop(0, C // L, _mkidx, 0)

        cp1 = pltpu.async_copy(phi_hbm.at[pidx_v], pg_v, sem)
        cp2 = pltpu.async_copy(eta_hbm.at[eidx_v], eg_v, sem)
        cp1.wait()
        cp2.wait()

        def _mh(i, _):
            s = pl.ds(i * L, L)
            s1 = pl.ds(C + i * L, L)
            s2 = pl.ds(2 * C + i * L, L)
            a = pg_v[s]
            b = pg_v[s1]
            e = pg_v[s2]
            f = eg_v[s]
            g = eg_v[s1]
            c = eg_v[s2]
            acc1 = _jexp(b) / _jexp(a)
            rej1 = u1_v[s] >= acc1
            dval = jnp.where(rej1, f, g)
            acc2 = _jexp(c) / _jexp(dval)
            rej2 = u2_v[s] >= acc2
            phi_z2 = jnp.where(rej2, jnp.where(rej1, a, b), e)
            eta_z2 = jnp.where(rej2, dval, c)
            o_v[s] = eta_z2 + phi_z2
            return 0
        lax.fori_loop(0, C // L, _mh, 0)

        pltpu.sync_copy(o_v, out_hbm.at[s_in])
        return 0
    lax.fori_loop(0, NCH, _chunk, 0)


def kernel(eta, alpha, phi, words, doc_ids, z_old):
    key = jax.random.key(42)
    kxi, kp1, ku1, kp2, ku2 = jax.random.split(key, 5)
    eps = SGLD_A * (SGLD_B + 1.0) ** (-SGLD_C)
    xi = jax.random.normal(kxi, (D, K), dtype=jnp.float32) * eps
    prop1 = jax.random.randint(kp1, (NTOK,), 0, K - 1).astype(jnp.int32)
    u1 = jax.random.uniform(ku1, (NTOK,))
    prop2 = jax.random.randint(kp2, (NTOK,), 0, K - 1).astype(jnp.int32)
    u2 = jax.random.uniform(ku2, (NTOK,))

    words = words.astype(jnp.int32)
    doc_ids = doc_ids.astype(jnp.int32)
    z_old = z_old.astype(jnp.int32)

    cdk2 = _sc_cdk(doc_ids, z_old)
    eta_new = _tc_eta(eta, alpha, cdk2.reshape(NC, D, K), xi)
    logp = _sc_tokens(phi.reshape(-1), eta_new.reshape(-1),
                      words, doc_ids, z_old, prop1, prop2, u1, u2)
    return logp

# --- scband reference (transcript-rebuilt; emitter-appended) ---
"""Pipeline reference for scband-dtmjax-73306501808239 (READ-ONLY COPY).

The authoritative reference and input builder live on the scoring server;
editing this copy changes nothing except your own understanding.
"""

import jax, jax.numpy as jnp
import numpy as np

K = 64
V = 100000
D = 4096
NTOK = 524288
ETA_VAR = 0.05
SGLD_A = 0.01
SGLD_B = 1.0
SGLD_C = 0.55
ZERO = 1e-06


def jax_exp(x):
    return jnp.clip(jnp.exp(jnp.clip(x, -700.0, 700.0)), ZERO, None)


def _take_col(mat, idx):
    # mat: [N, K], idx: [N] int -> [N]
    return jnp.take_along_axis(mat, idx[:, None], axis=1)[:, 0]


def setup_inputs(seed: int = 0) -> dict:
    key = jax.random.key(seed)
    k1, k2, k3, k4, k5, k6 = jax.random.split(key, 6)
    words = jax.random.randint(k1, (NTOK,), 0, V).astype(jnp.int64)
    doc_ids = jnp.sort(jax.random.randint(k2, (NTOK,), 0, D)).astype(jnp.int64)
    z_old = jax.random.randint(k3, (NTOK,), 0, K).astype(jnp.int64)
    eta = jax.random.normal(k4, (D, K), dtype=jnp.float32)
    alpha = jax.random.normal(k5, (K,), dtype=jnp.float32)
    phi = jax.random.normal(k6, (V, K), dtype=jnp.float32)
    return {"eta": eta, "alpha": alpha, "phi": phi, "words": words, "doc_ids": doc_ids, "z_old": z_old}


def reference(eta, alpha, phi, words, doc_ids, z_old):
    key = jax.random.key(42)
    kxi, kp1, ku1, kp2, ku2 = jax.random.split(key, 5)

    # ---- _sample_eta (SGLD step), vectorized over all docs ----
    Nd = jnp.bincount(doc_ids, length=D).astype(jnp.float32)
    CDK = jnp.zeros((D, K), dtype=jnp.float32).at[doc_ids, z_old].add(1.0)
    eps = SGLD_A * (SGLD_B + 1.0) ** (-SGLD_C)
    xi = jax.random.normal(kxi, (D, K), dtype=jnp.float32) * eps
    prior_eta = (alpha[None, :] - eta) / ETA_VAR
    grad_eta = CDK - Nd[:, None] * jax.nn.softmax(eta, axis=-1)
    eta_new = eta + (eps / 2.0) * (grad_eta + prior_eta) + xi

    # ---- _sample_topic: two-stage Metropolis-Hastings, vectorized over tokens ----
    phi_w = phi[words]              # gather: [NTOK, K]
    eta_tok = eta_new[doc_ids]      # gather: [NTOK, K]

    # MH test 1: word proposal using phi
    prop1 = jax.random.randint(kp1, (NTOK,), 0, K - 1)
    acc1 = jax_exp(_take_col(phi_w, prop1)) / jax_exp(_take_col(phi_w, z_old))
    u1 = jax.random.uniform(ku1, (NTOK,))
    rej1 = (u1 >= acc1)
    z1 = jnp.where(rej1, z_old, prop1)

    # MH test 2: topic proposal using eta
    prop2 = jax.random.randint(kp2, (NTOK,), 0, K - 1)
    acc2 = jax_exp(_take_col(eta_tok, prop2)) / jax_exp(_take_col(eta_tok, z1))
    u2 = jax.random.uniform(ku2, (NTOK,))
    rej2 = (u2 >= acc2)
    z2 = jnp.where(rej2, z1, prop2)

    # per-token unnormalized log prob of the sampled topic
    logp = _take_col(eta_tok, z2) + _take_col(phi_w, z2)
    return logp

if __name__ == "__main__":
    import jax
    _d = setup_inputs()
    print(jax.jit(kernel)(*tuple(_d.values())))

</pallas_src>

<mosaic_0001>
#map = affine_map<(d0, d1) -> (0)>
#map1 = affine_map<(d0, d1) -> (0, 0)>
module attributes {stable_mosaic.version = 14 : i64} {
  func.func @_sc_cdk(%arg0: i32, %arg1: i32, %arg2: memref<524288xi32, #tpu.memory_space<hbm>>, %arg3: memref<524288xi32, #tpu.memory_space<hbm>>, %arg4: memref<2x262144xf32, #tpu.memory_space<hbm>>, %arg5: memref<16384xi32, #tpu.memory_space<vmem>>, %arg6: memref<16384xi32, #tpu.memory_space<vmem>>, %arg7: memref<16384xi32, #tpu.memory_space<vmem>>, %arg8: memref<16384xf32, #tpu.memory_space<vmem>>, %arg9: memref<262144xf32, #tpu.memory_space<vmem_shared>>) attributes {dimension_semantics = [#tpu.dimension_semantics<core_parallel>, #tpu.dimension_semantics<subcore_parallel>], iteration_bounds = array<i64: 2, 16>, scalar_prefetch = 0 : i64, scratch_operands = 5 : i64, tpu.core_type = #tpu.core_type<sc_vector_subcore>, window_params = [{transform_indices = #map}, {transform_indices = #map}, {transform_indices = #map1}]} {
    %mul3A = arith.constant 2 : i32
    %mul3A_0 = arith.muli %arg1, %mul3A : i32
    %add3A = arith.addi %mul3A_0, %arg0 : i32
    %mul3A_1 = arith.constant 16384 : i32
    %mul3A_2 = arith.muli %add3A, %mul3A_1 : i32
    %scan3A = arith.constant 0 : i32
    %scan3A_3 = arith.constant 0 : i32
    %scan3A_4 = arith.constant 1024 : i32
    %scan3A_5 = arith.addi %scan3A_3, %scan3A_4 : i32
    %scan3A_6 = arith.constant 1 : i32
    %scan3A_7 = scf.for %scan3A_21 = %scan3A_3 to %scan3A_5 step %scan3A_6 iter_args(%scan3A_22 = %scan3A) -> (i32)  : i32 {
      %broadcast_in_dim3A = arith.constant 0.000000e+00 : f32
      %broadcast_in_dim3A_23 = vector.broadcast %broadcast_in_dim3A : f32 to vector<16xf32>
      %mul3A_24 = arith.constant 16 : i32
      %mul3A_25 = arith.muli %scan3A_21, %mul3A_24 : i32
      %swap3A = arith.index_cast %mul3A_25 : i32 to index
      %swap3A_26 = tpu.vector_load %arg8[%swap3A] {strides = array<i32>} : memref<16384xf32, #tpu.memory_space<vmem>>, vector<16xf32>,
      %swap3A_27 = vector.shape_cast %swap3A_26 : vector<16xf32> to vector<16xf32>
      %swap3A_28 = vector.shape_cast %broadcast_in_dim3A_23 : vector<16xf32> to vector<16xf32>
      tpu.vector_store %arg8[%swap3A], %swap3A_28 {strides = array<i32>} : memref<16384xf32, #tpu.memory_space<vmem>>, vector<16xf32>,
      %scan3A_29 = arith.constant 0 : i32
      scf.yield %scan3A_29 : i32
    }
    %scan3A_8 = arith.constant 1024 : i32
    %mul3A_9 = arith.constant 16384 : i32
    %mul3A_10 = arith.muli %arg1, %mul3A_9 : i32
    "tpu.region"() ({
      %run_scoped3A = tpu.sem_alloc : memref<!tpu.dma_semaphore, #tpu.memory_space<semaphore_mem>>
      %dma_start3A = tpu.memref_slice %arg9[%mul3A_10] : memref<262144xf32, #tpu.memory_space<vmem_shared>> -> memref<16384xf32, #tpu.memory_space<vmem_shared>>
      %dma_start3A_21 = tpu.memref_slice %arg9[%mul3A_10] : memref<262144xf32, #tpu.memory_space<vmem_shared>> -> memref<16384xf32, #tpu.memory_space<vmem_shared>>
      tpu.enqueue_dma source(%arg8 : memref<16384xf32, #tpu.memory_space<vmem>>) target(%dma_start3A_21 : memref<16384xf32, #tpu.memory_space<vmem_shared>>) target_semaphore(%run_scoped3A : memref<!tpu.dma_semaphore, #tpu.memory_space<semaphore_mem>>)
      %dma_wait3A = tpu.memref_slice %arg9[%mul3A_10] : memref<262144xf32, #tpu.memory_space<vmem_shared>> -> memref<16384xf32, #tpu.memory_space<vmem_shared>>
      %dma_wait3A_22 = tpu.memref_slice %arg9[%mul3A_10] : memref<262144xf32, #tpu.memory_space<vmem_shared>> -> memref<16384xf32, #tpu.memory_space<vmem_shared>>
      tpu.wait_dma2 semaphore(%run_scoped3A : memref<!tpu.dma_semaphore, #tpu.memory_space<semaphore_mem>>) src(%arg8 : memref<16384xf32, #tpu.memory_space<vmem>>) dst(%dma_wait3A_22 : memref<16384xf32, #tpu.memory_space<vmem_shared>>)
      tpu.yield
    }) : () -> ()
    %barrier3A = arith.constant 0 : index
    tpu.barrier barrier_id(%barrier3A)
    "tpu.region"() ({
      %run_scoped3A = tpu.sem_alloc : memref<!tpu.dma_semaphore, #tpu.memory_space<semaphore_mem>>
      %dma_start3A = tpu.memref_slice %arg2[%mul3A_2] : memref<524288xi32, #tpu.memory_space<hbm>> -> memref<16384xi32, #tpu.memory_space<hbm>>
      %dma_start3A_21 = tpu.memref_slice %arg2[%mul3A_2] : memref<524288xi32, #tpu.memory_space<hbm>> -> memref<16384xi32, #tpu.memory_space<hbm>>
      tpu.enqueue_dma source(%dma_start3A_21 : memref<16384xi32, #tpu.memory_space<hbm>>) target(%arg5 : memref<16384xi32, #tpu.memory_space<vmem>>) target_semaphore(%run_scoped3A : memref<!tpu.dma_semaphore, #tpu.memory_space<semaphore_mem>>)
      %dma_wait3A = tpu.memref_slice %arg2[%mul3A_2] : memref<524288xi32, #tpu.memory_space<hbm>> -> memref<16384xi32, #tpu.memory_space<hbm>>
      %dma_wait3A_22 = tpu.memref_slice %arg2[%mul3A_2] : memref<524288xi32, #tpu.memory_space<hbm>> -> memref<16384xi32, #tpu.memory_space<hbm>>
      tpu.wait_dma2 semaphore(%run_scoped3A : memref<!tpu.dma_semaphore, #tpu.memory_space<semaphore_mem>>) src(%dma_wait3A_22 : memref<16384xi32, #tpu.memory_space<hbm>>) dst(%arg5 : memref<16384xi32, #tpu.memory_space<vmem>>)
      tpu.yield
    }) : () -> ()
    "tpu.region"() ({
      %run_scoped3A = tpu.sem_alloc : memref<!tpu.dma_semaphore, #tpu.memory_space<semaphore_mem>>
      %dma_start3A = tpu.memref_slice %arg3[%mul3A_2] : memref<524288xi32, #tpu.memory_space<hbm>> -> memref<16384xi32, #tpu.memory_space<hbm>>
      %dma_start3A_21 = tpu.memref_slice %arg3[%mul3A_2] : memref<524288xi32, #tpu.memory_space<hbm>> -> memref<16384xi32, #tpu.memory_space<hbm>>
      tpu.enqueue_dma source(%dma_start3A_21 : memref<16384xi32, #tpu.memory_space<hbm>>) target(%arg6 : memref<16384xi32, #tpu.memory_space<vmem>>) target_semaphore(%run_scoped3A : memref<!tpu.dma_semaphore, #tpu.memory_space<semaphore_mem>>)
      %dma_wait3A = tpu.memref_slice %arg3[%mul3A_2] : memref<524288xi32, #tpu.memory_space<hbm>> -> memref<16384xi32, #tpu.memory_space<hbm>>
      %dma_wait3A_22 = tpu.memref_slice %arg3[%mul3A_2] : memref<524288xi32, #tpu.memory_space<hbm>> -> memref<16384xi32, #tpu.memory_space<hbm>>
      tpu.wait_dma2 semaphore(%run_scoped3A : memref<!tpu.dma_semaphore, #tpu.memory_space<semaphore_mem>>) src(%dma_wait3A_22 : memref<16384xi32, #tpu.memory_space<hbm>>) dst(%arg6 : memref<16384xi32, #tpu.memory_space<vmem>>)
      tpu.yield
    }) : () -> ()
    %scan3A_11 = arith.constant 0 : i32
    %scan3A_12 = arith.constant 0 : i32
    %scan3A_13 = arith.constant 1024 : i32
    %scan3A_14 = arith.addi %scan3A_12, %scan3A_13 : i32
    %scan3A_15 = arith.constant 1 : i32
    %scan3A_16 = scf.for %scan3A_21 = %scan3A_12 to %scan3A_14 step %scan3A_15 iter_args(%scan3A_22 = %scan3A_11) -> (i32)  : i32 {
      %mul3A_23 = arith.constant 16 : i32
      %mul3A_24 = arith.muli %scan3A_21, %mul3A_23 : i32
      %get3A = arith.index_cast %mul3A_24 : i32 to index
      %get3A_25 = tpu.vector_load %arg5[%get3A] {strides = array<i32>} : memref<16384xi32, #tpu.memory_space<vmem>>, vector<16xi32>,
      %get3A_26 = vector.shape_cast %get3A_25 : vector<16xi32> to vector<16xi32>
      %mul3A_27 = arith.constant 64 : i32
      %mul3A_28 = vector.broadcast %mul3A_27 : i32 to vector<16xi32>
      %mul3A_29 = arith.muli %get3A_26, %mul3A_28 : vector<16xi32>
      %get3A_30 = arith.index_cast %mul3A_24 : i32 to index
      %get3A_31 = tpu.vector_load %arg6[%get3A_30] {strides = array<i32>} : memref<16384xi32, #tpu.memory_space<vmem>>, vector<16xi32>,
      %get3A_32 = vector.shape_cast %get3A_31 : vector<16xi32> to vector<16xi32>
      %add3A_33 = arith.addi %mul3A_29, %get3A_32 : vector<16xi32>
      %swap3A = arith.index_cast %mul3A_24 : i32 to index
      %swap3A_34 = tpu.vector_load %arg7[%swap3A] {strides = array<i32>} : memref<16384xi32, #tpu.memory_space<vmem>>, vector<16xi32>,
      %swap3A_35 = vector.shape_cast %swap3A_34 : vector<16xi32> to vector<16xi32>
      %swap3A_36 = vector.shape_cast %add3A_33 : vector<16xi32> to vector<16xi32>
      tpu.vector_store %arg7[%swap3A], %swap3A_36 {strides = array<i32>} : memref<16384xi32, #tpu.memory_space<vmem>>, vector<16xi32>,
      %broadcast_in_dim3A = arith.constant 1.000000e+00 : f32
      %broadcast_in_dim3A_37 = vector.broadcast %broadcast_in_dim3A : f32 to vector<16xf32>
      %swap3A_38 = arith.index_cast %mul3A_24 : i32 to index
      %swap3A_39 = tpu.vector_load %arg8[%swap3A_38] {strides = array<i32>} : memref<16384xf32, #tpu.memory_space<vmem>>, vector<16xf32>,
      %swap3A_40 = vector.shape_cast %swap3A_39 : vector<16xf32> to vector<16xf32>
      %swap3A_41 = vector.shape_cast %broadcast_in_dim3A_37 : vector<16xf32> to vector<16xf32>
      tpu.vector_store %arg8[%swap3A_38], %swap3A_41 {strides = array<i32>} : memref<16384xf32, #tpu.memory_space<vmem>>, vector<16xf32>,
      %scan3A_42 = arith.constant 0 : i32
      scf.yield %scan3A_42 : i32
    }
    %scan3A_17 = arith.constant 1024 : i32
    "tpu.region"() ({
      %run_scoped3A = tpu.sem_alloc : memref<!tpu.dma_semaphore, #tpu.memory_space<semaphore_mem>>
      %dma_start3A = arith.constant 0 : i32
      %dma_start3A_21 = tpu.memref_slice %arg9[%dma_start3A] : memref<262144xf32, #tpu.memory_space<vmem_shared>> -> memref<262144xf32, #tpu.memory_space<vmem_shared>>
      tpu.enqueue_indirect_dma source(%arg8 : memref<16384xf32, #tpu.memory_space<vmem>>) target(%dma_start3A_21 : memref<262144xf32, #tpu.memory_space<vmem_shared>>) offsets(%arg7 : memref<16384xi32, #tpu.memory_space<vmem>>) semaphore(%run_scoped3A : memref<!tpu.dma_semaphore, #tpu.memory_space<semaphore_mem>>) {add = true}
      %dma_wait3A = arith.constant 0 : i32
      %dma_wait3A_22 = tpu.memref_slice %arg9[%dma_wait3A] : memref<262144xf32, #tpu.memory_space<vmem_shared>> -> memref<262144xf32, #tpu.memory_space<vmem_shared>>
      tpu.wait_indirect_dma semaphore(%run_scoped3A : memref<!tpu.dma_semaphore, #tpu.memory_space<semaphore_mem>>) src(%arg8 : memref<16384xf32, #tpu.memory_space<vmem>>) dst(%dma_wait3A_22 : memref<262144xf32, #tpu.memory_space<vmem_shared>>)
      tpu.yield
    }) : () -> ()
    %barrier3A_18 = arith.constant 0 : index
    tpu.barrier barrier_id(%barrier3A_18)
    %mul3A_19 = arith.constant 16384 : i32
    %mul3A_20 = arith.muli %arg1, %mul3A_19 : i32
    "tpu.region"() ({
      %run_scoped3A = tpu.sem_alloc : memref<!tpu.dma_semaphore, #tpu.memory_space<semaphore_mem>>
      %dma_start3A = tpu.memref_slice %arg9[%mul3A_20] : memref<262144xf32, #tpu.memory_space<vmem_shared>> -> memref<16384xf32, #tpu.memory_space<vmem_shared>>
      %dma_start3A_21 = tpu.memref_slice %arg9[%mul3A_20] : memref<262144xf32, #tpu.memory_space<vmem_shared>> -> memref<16384xf32, #tpu.memory_space<vmem_shared>>
      tpu.enqueue_dma source(%dma_start3A_21 : memref<16384xf32, #tpu.memory_space<vmem_shared>>) target(%arg8 : memref<16384xf32, #tpu.memory_space<vmem>>) target_semaphore(%run_scoped3A : memref<!tpu.dma_semaphore, #tpu.memory_space<semaphore_mem>>)
      %dma_wait3A = tpu.memref_slice %arg9[%mul3A_20] : memref<262144xf32, #tpu.memory_space<vmem_shared>> -> memref<16384xf32, #tpu.memory_space<vmem_shared>>
      %dma_wait3A_22 = tpu.memref_slice %arg9[%mul3A_20] : memref<262144xf32, #tpu.memory_space<vmem_shared>> -> memref<16384xf32, #tpu.memory_space<vmem_shared>>
      tpu.wait_dma2 semaphore(%run_scoped3A : memref<!tpu.dma_semaphore, #tpu.memory_space<semaphore_mem>>) src(%dma_wait3A_22 : memref<16384xf32, #tpu.memory_space<vmem_shared>>) dst(%arg8 : memref<16384xf32, #tpu.memory_space<vmem>>)
      tpu.yield
    }) : () -> ()
    "tpu.region"() ({
      %run_scoped3A = tpu.sem_alloc : memref<!tpu.dma_semaphore, #tpu.memory_space<semaphore_mem>>
      %dma_start3A = arith.constant 0 : i32
      %dma_start3A_21 = tpu.memref_slice %arg4[%arg0, %dma_start3A] : memref<2x262144xf32, #tpu.memory_space<hbm>> -> memref<1x262144xf32, #tpu.memory_space<hbm>>
      %dma_start3A_22 = tpu.memref_squeeze %dma_start3A_21 : memref<1x262144xf32, #tpu.memory_space<hbm>> -> memref<262144xf32, #tpu.memory_space<hbm>>
      %dma_start3A_23 = tpu.memref_slice %dma_start3A_22[%mul3A_20] : memref<262144xf32, #tpu.memory_space<hbm>> -> memref<16384xf32, #tpu.memory_space<hbm>>
      %dma_start3A_24 = arith.constant 0 : i32
      %dma_start3A_25 = tpu.memref_slice %arg4[%arg0, %dma_start3A_24] : memref<2x262144xf32, #tpu.memory_space<hbm>> -> memref<1x262144xf32, #tpu.memory_space<hbm>>
      %dma_start3A_26 = tpu.memref_squeeze %dma_start3A_25 : memref<1x262144xf32, #tpu.memory_space<hbm>> -> memref<262144xf32, #tpu.memory_space<hbm>>
      %dma_start3A_27 = tpu.memref_slice %dma_start3A_26[%mul3A_20] : memref<262144xf32, #tpu.memory_space<hbm>> -> memref<16384xf32, #tpu.memory_space<hbm>>
      tpu.enqueue_dma source(%arg8 : memref<16384xf32, #tpu.memory_space<vmem>>) target(%dma_start3A_27 : memref<16384xf32, #tpu.memory_space<hbm>>) target_semaphore(%run_scoped3A : memref<!tpu.dma_semaphore, #tpu.memory_space<semaphore_mem>>)
      %dma_wait3A = arith.constant 0 : i32
      %dma_wait3A_28 = tpu.memref_slice %arg4[%arg0, %dma_wait3A] : memref<2x262144xf32, #tpu.memory_space<hbm>> -> memref<1x262144xf32, #tpu.memory_space<hbm>>
      %dma_wait3A_29 = tpu.memref_squeeze %dma_wait3A_28 : memref<1x262144xf32, #tpu.memory_space<hbm>> -> memref<262144xf32, #tpu.memory_space<hbm>>
      %dma_wait3A_30 = tpu.memref_slice %dma_wait3A_29[%mul3A_20] : memref<262144xf32, #tpu.memory_space<hbm>> -> memref<16384xf32, #tpu.memory_space<hbm>>
      %dma_wait3A_31 = arith.constant 0 : i32
      %dma_wait3A_32 = tpu.memref_slice %arg4[%arg0, %dma_wait3A_31] : memref<2x262144xf32, #tpu.memory_space<hbm>> -> memref<1x262144xf32, #tpu.memory_space<hbm>>
      %dma_wait3A_33 = tpu.memref_squeeze %dma_wait3A_32 : memref<1x262144xf32, #tpu.memory_space<hbm>> -> memref<262144xf32, #tpu.memory_space<hbm>>
      %dma_wait3A_34 = tpu.memref_slice %dma_wait3A_33[%mul3A_20] : memref<262144xf32, #tpu.memory_space<hbm>> -> memref<16384xf32, #tpu.memory_space<hbm>>
      tpu.wait_dma2 semaphore(%run_scoped3A : memref<!tpu.dma_semaphore, #tpu.memory_space<semaphore_mem>>) src(%arg8 : memref<16384xf32, #tpu.memory_space<vmem>>) dst(%dma_wait3A_34 : memref<16384xf32, #tpu.memory_space<hbm>>)
      tpu.yield
    }) : () -> ()
    return
  }
}

#map = affine_map<(d0, d1) -> (0)>
module attributes {stable_mosaic.version = 14 : i64} {
  func.func @_sc_tokens(%arg0: i32, %arg1: i32, %arg2: memref<6400000xf32, #tpu.memory_space<hbm>>, %arg3: memref<262144xf32, #tpu.memory_space<hbm>>, %arg4: memref<524288xi32, #tpu.memory_space<hbm>>, %arg5: memref<524288xi32, #tpu.memory_space<hbm>>, %arg6: memref<524288xi32, #tpu.memory_space<hbm>>, %arg7: memref<524288xi32, #tpu.memory_space<hbm>>, %arg8: memref<524288xi32, #tpu.memory_space<hbm>>, %arg9: memref<524288xf32, #tpu.memory_space<hbm>>, %arg10: memref<524288xf32, #tpu.memory_space<hbm>>, %arg11: memref<524288xf32, #tpu.memory_space<hbm>>, %arg12: memref<4096xi32, #tpu.memory_space<vmem>>, %arg13: memref<4096xi32, #tpu.memory_space<vmem>>, %arg14: memref<4096xi32, #tpu.memory_space<vmem>>, %arg15: memref<4096xi32, #tpu.memory_space<vmem>>, %arg16: memref<4096xi32, #tpu.memory_space<vmem>>, %arg17: memref<4096xf32, #tpu.memory_space<vmem>>, %arg18: memref<4096xf32, #tpu.memory_space<vmem>>, %arg19: memref<12288xi32, #tpu.memory_space<vmem>>, %arg20: memref<12288xi32, #tpu.memory_space<vmem>>, %arg21: memref<12288xf32, #tpu.memory_space<vmem>>, %arg22: memref<12288xf32, #tpu.memory_space<vmem>>, %arg23: memref<4096xf32, #tpu.memory_space<vmem>>, %arg24: memref<!tpu.dma_semaphore, #tpu.memory_space<semaphore_mem>>) attributes {dimension_semantics = [#tpu.dimension_semantics<core_parallel>, #tpu.dimension_semantics<subcore_parallel>], iteration_bounds = array<i64: 2, 16>, scalar_prefetch = 0 : i64, scratch_operands = 13 : i64, tpu.core_type = #tpu.core_type<sc_vector_subcore>, window_params = [{transform_indices = #map}, {transform_indices = #map}, {transform_indices = #map}, {transform_indices = #map}, {transform_indices = #map}, {transform_indices = #map}, {transform_indices = #map}, {transform_indices = #map}, {transform_indices = #map}, {transform_indices = #map}]} {
    %mul3A = arith.constant 2 : i32
    %mul3A_0 = arith.muli %arg1, %mul3A : i32
    %add3A = arith.addi %mul3A_0, %arg0 : i32
    %mul3A_1 = arith.constant 16384 : i32
    %mul3A_2 = arith.muli %add3A, %mul3A_1 : i32
    %scan3A = arith.constant 0 : i32
    %scan3A_3 = arith.constant 0 : i32
    %scan3A_4 = arith.constant 4 : i32
    %scan3A_5 = arith.addi %scan3A_3, %scan3A_4 : i32
    %scan3A_6 = arith.constant 1 : i32
    %scan3A_7 = scf.for %scan3A_9 = %scan3A_3 to %scan3A_5 step %scan3A_6 iter_args(%scan3A_10 = %scan3A) -> (i32)  : i32 {
      %mul3A_11 = arith.constant 4096 : i32
      %mul3A_12 = arith.muli %scan3A_9, %mul3A_11 : i32
      %add3A_13 = arith.addi %mul3A_2, %mul3A_12 : i32
      "tpu.region"() ({
        %run_scoped3A = tpu.sem_alloc : memref<!tpu.dma_semaphore, #tpu.memory_space<semaphore_mem>>
        %dma_start3A_35 = tpu.memref_slice %arg4[%add3A_13] : memref<524288xi32, #tpu.memory_space<hbm>> -> memref<4096xi32, #tpu.memory_space<hbm>>
        %dma_start3A_36 = tpu.memref_slice %arg4[%add3A_13] : memref<524288xi32, #tpu.memory_space<hbm>> -> memref<4096xi32, #tpu.memory_space<hbm>>
        tpu.enqueue_dma source(%dma_start3A_36 : memref<4096xi32, #tpu.memory_space<hbm>>) target(%arg12 : memref<4096xi32, #tpu.memory_space<vmem>>) target_semaphore(%run_scoped3A : memref<!tpu.dma_semaphore, #tpu.memory_space<semaphore_mem>>)
        %dma_wait3A_37 = tpu.memref_slice %arg4[%add3A_13] : memref<524288xi32, #tpu.memory_space<hbm>> -> memref<4096xi32, #tpu.memory_space<hbm>>
        %dma_wait3A_38 = tpu.memref_slice %arg4[%add3A_13] : memref<524288xi32, #tpu.memory_space<hbm>> -> memref<4096xi32, #tpu.memory_space<hbm>>
        tpu.wait_dma2 semaphore(%run_scoped3A : memref<!tpu.dma_semaphore, #tpu.memory_space<semaphore_mem>>) src(%dma_wait3A_38 : memref<4096xi32, #tpu.memory_space<hbm>>) dst(%arg12 : memref<4096xi32, #tpu.memory_space<vmem>>)
        tpu.yield
      }) : () -> ()
      "tpu.region"() ({
        %run_scoped3A = tpu.sem_alloc : memref<!tpu.dma_semaphore, #tpu.memory_space<semaphore_mem>>
        %dma_start3A_35 = tpu.memref_slice %arg5[%add3A_13] : memref<524288xi32, #tpu.memory_space<hbm>> -> memref<4096xi32, #tpu.memory_space<hbm>>
        %dma_start3A_36 = tpu.memref_slice %arg5[%add3A_13] : memref<524288xi32, #tpu.memory_space<hbm>> -> memref<4096xi32, #tpu.memory_space<hbm>>
        tpu.enqueue_dma source(%dma_start3A_36 : memref<4096xi32, #tpu.memory_space<hbm>>) target(%arg13 : memref<4096xi32, #tpu.memory_space<vmem>>) target_semaphore(%run_scoped3A : memref<!tpu.dma_semaphore, #tpu.memory_space<semaphore_mem>>)
        %dma_wait3A_37 = tpu.memref_slice %arg5[%add3A_13] : memref<524288xi32, #tpu.memory_space<hbm>> -> memref<4096xi32, #tpu.memory_space<hbm>>
        %dma_wait3A_38 = tpu.memref_slice %arg5[%add3A_13] : memref<524288xi32, #tpu.memory_space<hbm>> -> memref<4096xi32, #tpu.memory_space<hbm>>
        tpu.wait_dma2 semaphore(%run_scoped3A : memref<!tpu.dma_semaphore, #tpu.memory_space<semaphore_mem>>) src(%dma_wait3A_38 : memref<4096xi32, #tpu.memory_space<hbm>>) dst(%arg13 : memref<4096xi32, #tpu.memory_space<vmem>>)
        tpu.yield
      }) : () -> ()
      "tpu.region"() ({
        %run_scoped3A = tpu.sem_alloc : memref<!tpu.dma_semaphore, #tpu.memory_space<semaphore_mem>>
        %dma_start3A_35 = tpu.memref_slice %arg6[%add3A_13] : memref<524288xi32, #tpu.memory_space<hbm>> -> memref<4096xi32, #tpu.memory_space<hbm>>
        %dma_start3A_36 = tpu.memref_slice %arg6[%add3A_13] : memref<524288xi32, #tpu.memory_space<hbm>> -> memref<4096xi32, #tpu.memory_space<hbm>>
        tpu.enqueue_dma source(%dma_start3A_36 : memref<4096xi32, #tpu.memory_space<hbm>>) target(%arg14 : memref<4096xi32, #tpu.memory_space<vmem>>) target_semaphore(%run_scoped3A : memref<!tpu.dma_semaphore, #tpu.memory_space<semaphore_mem>>)
        %dma_wait3A_37 = tpu.memref_slice %arg6[%add3A_13] : memref<524288xi32, #tpu.memory_space<hbm>> -> memref<4096xi32, #tpu.memory_space<hbm>>
        %dma_wait3A_38 = tpu.memref_slice %arg6[%add3A_13] : memref<524288xi32, #tpu.memory_space<hbm>> -> memref<4096xi32, #tpu.memory_space<hbm>>
        tpu.wait_dma2 semaphore(%run_scoped3A : memref<!tpu.dma_semaphore, #tpu.memory_space<semaphore_mem>>) src(%dma_wait3A_38 : memref<4096xi32, #tpu.memory_space<hbm>>) dst(%arg14 : memref<4096xi32, #tpu.memory_space<vmem>>)
        tpu.yield
      }) : () -> ()
      "tpu.region"() ({
        %run_scoped3A = tpu.sem_alloc : memref<!tpu.dma_semaphore, #tpu.memory_space<semaphore_mem>>
        %dma_start3A_35 = tpu.memref_slice %arg7[%add3A_13] : memref<524288xi32, #tpu.memory_space<hbm>> -> memref<4096xi32, #tpu.memory_space<hbm>>
        %dma_start3A_36 = tpu.memref_slice %arg7[%add3A_13] : memref<524288xi32, #tpu.memory_space<hbm>> -> memref<4096xi32, #tpu.memory_space<hbm>>
        tpu.enqueue_dma source(%dma_start3A_36 : memref<4096xi32, #tpu.memory_space<hbm>>) target(%arg15 : memref<4096xi32, #tpu.memory_space<vmem>>) target_semaphore(%run_scoped3A : memref<!tpu.dma_semaphore, #tpu.memory_space<semaphore_mem>>)
        %dma_wait3A_37 = tpu.memref_slice %arg7[%add3A_13] : memref<524288xi32, #tpu.memory_space<hbm>> -> memref<4096xi32, #tpu.memory_space<hbm>>
        %dma_wait3A_38 = tpu.memref_slice %arg7[%add3A_13] : memref<524288xi32, #tpu.memory_space<hbm>> -> memref<4096xi32, #tpu.memory_space<hbm>>
        tpu.wait_dma2 semaphore(%run_scoped3A : memref<!tpu.dma_semaphore, #tpu.memory_space<semaphore_mem>>) src(%dma_wait3A_38 : memref<4096xi32, #tpu.memory_space<hbm>>) dst(%arg15 : memref<4096xi32, #tpu.memory_space<vmem>>)
        tpu.yield
      }) : () -> ()
      "tpu.region"() ({
        %run_scoped3A = tpu.sem_alloc : memref<!tpu.dma_semaphore, #tpu.memory_space<semaphore_mem>>
        %dma_start3A_35 = tpu.memref_slice %arg8[%add3A_13] : memref<524288xi32, #tpu.memory_space<hbm>> -> memref<4096xi32, #tpu.memory_space<hbm>>
        %dma_start3A_36 = tpu.memref_slice %arg8[%add3A_13] : memref<524288xi32, #tpu.memory_space<hbm>> -> memref<4096xi32, #tpu.memory_space<hbm>>
        tpu.enqueue_dma source(%dma_start3A_36 : memref<4096xi32, #tpu.memory_space<hbm>>) target(%arg16 : memref<4096xi32, #tpu.memory_space<vmem>>) target_semaphore(%run_scoped3A : memref<!tpu.dma_semaphore, #tpu.memory_space<semaphore_mem>>)
        %dma_wait3A_37 = tpu.memref_slice %arg8[%add3A_13] : memref<524288xi32, #tpu.memory_space<hbm>> -> memref<4096xi32, #tpu.memory_space<hbm>>
        %dma_wait3A_38 = tpu.memref_slice %arg8[%add3A_13] : memref<524288xi32, #tpu.memory_space<hbm>> -> memref<4096xi32, #tpu.memory_space<hbm>>
        tpu.wait_dma2 semaphore(%run_scoped3A : memref<!tpu.dma_semaphore, #tpu.memory_space<semaphore_mem>>) src(%dma_wait3A_38 : memref<4096xi32, #tpu.memory_space<hbm>>) dst(%arg16 : memref<4096xi32, #tpu.memory_space<vmem>>)
        tpu.yield
      }) : () -> ()
      "tpu.region"() ({
        %run_scoped3A = tpu.sem_alloc : memref<!tpu.dma_semaphore, #tpu.memory_space<semaphore_mem>>
        %dma_start3A_35 = tpu.memref_slice %arg9[%add3A_13] : memref<524288xf32, #tpu.memory_space<hbm>> -> memref<4096xf32, #tpu.memory_space<hbm>>
        %dma_start3A_36 = tpu.memref_slice %arg9[%add3A_13] : memref<524288xf32, #tpu.memory_space<hbm>> -> memref<4096xf32, #tpu.memory_space<hbm>>
        tpu.enqueue_dma source(%dma_start3A_36 : memref<4096xf32, #tpu.memory_space<hbm>>) target(%arg17 : memref<4096xf32, #tpu.memory_space<vmem>>) target_semaphore(%run_scoped3A : memref<!tpu.dma_semaphore, #tpu.memory_space<semaphore_mem>>)
        %dma_wait3A_37 = tpu.memref_slice %arg9[%add3A_13] : memref<524288xf32, #tpu.memory_space<hbm>> -> memref<4096xf32, #tpu.memory_space<hbm>>
        %dma_wait3A_38 = tpu.memref_slice %arg9[%add3A_13] : memref<524288xf32, #tpu.memory_space<hbm>> -> memref<4096xf32, #tpu.memory_space<hbm>>
        tpu.wait_dma2 semaphore(%run_scoped3A : memref<!tpu.dma_semaphore, #tpu.memory_space<semaphore_mem>>) src(%dma_wait3A_38 : memref<4096xf32, #tpu.memory_space<hbm>>) dst(%arg17 : memref<4096xf32, #tpu.memory_space<vmem>>)
        tpu.yield
      }) : () -> ()
      "tpu.region"() ({
        %run_scoped3A = tpu.sem_alloc : memref<!tpu.dma_semaphore, #tpu.memory_space<semaphore_mem>>
        %dma_start3A_35 = tpu.memref_slice %arg10[%add3A_13] : memref<524288xf32, #tpu.memory_space<hbm>> -> memref<4096xf32, #tpu.memory_space<hbm>>
        %dma_start3A_36 = tpu.memref_slice %arg10[%add3A_13] : memref<524288xf32, #tpu.memory_space<hbm>> -> memref<4096xf32, #tpu.memory_space<hbm>>
        tpu.enqueue_dma source(%dma_start3A_36 : memref<4096xf32, #tpu.memory_space<hbm>>) target(%arg18 : memref<4096xf32, #tpu.memory_space<vmem>>) target_semaphore(%run_scoped3A : memref<!tpu.dma_semaphore, #tpu.memory_space<semaphore_mem>>)
        %dma_wait3A_37 = tpu.memref_slice %arg10[%add3A_13] : memref<524288xf32, #tpu.memory_space<hbm>> -> memref<4096xf32, #tpu.memory_space<hbm>>
        %dma_wait3A_38 = tpu.memref_slice %arg10[%add3A_13] : memref<524288xf32, #tpu.memory_space<hbm>> -> memref<4096xf32, #tpu.memory_space<hbm>>
        tpu.wait_dma2 semaphore(%run_scoped3A : memref<!tpu.dma_semaphore, #tpu.memory_space<semaphore_mem>>) src(%dma_wait3A_38 : memref<4096xf32, #tpu.memory_space<hbm>>) dst(%arg18 : memref<4096xf32, #tpu.memory_space<vmem>>)
        tpu.yield
      }) : () -> ()
      %scan3A_14 = arith.constant 0 : i32
      %scan3A_15 = arith.constant 0 : i32
      %scan3A_16 = arith.constant 256 : i32
      %scan3A_17 = arith.addi %scan3A_15, %scan3A_16 : i32
      %scan3A_18 = arith.constant 1 : i32
      %scan3A_19 = scf.for %scan3A_35 = %scan3A_15 to %scan3A_17 step %scan3A_18 iter_args(%scan3A_36 = %scan3A_14) -> (i32)  : i32 {
        %mul3A_37 = arith.constant 16 : i32
        %mul3A_38 = arith.muli %scan3A_35, %mul3A_37 : i32
        %mul3A_39 = arith.constant 16 : i32
        %mul3A_40 = arith.muli %scan3A_35, %mul3A_39 : i32
        %add3A_41 = arith.constant 4096 : i32
        %add3A_42 = arith.addi %add3A_41, %mul3A_40 : i32
        %mul3A_43 = arith.constant 16 : i32
        %mul3A_44 = arith.muli %scan3A_35, %mul3A_43 : i32
        %add3A_45 = arith.constant 8192 : i32
        %add3A_46 = arith.addi %add3A_45, %mul3A_44 : i32
        %get3A = arith.index_cast %mul3A_38 : i32 to index
        %get3A_47 = tpu.vector_load %arg12[%get3A] {strides = array<i32>} : memref<4096xi32, #tpu.memory_space<vmem>>, vector<16xi32>,
        %get3A_48 = vector.shape_cast %get3A_47 : vector<16xi32> to vector<16xi32>
        %mul3A_49 = arith.constant 64 : i32
        %mul3A_50 = vector.broadcast %mul3A_49 : i32 to vector<16xi32>
        %mul3A_51 = arith.muli %get3A_48, %mul3A_50 : vector<16xi32>
        %get3A_52 = arith.index_cast %mul3A_38 : i32 to index
        %get3A_53 = tpu.vector_load %arg13[%get3A_52] {strides = array<i32>} : memref<4096xi32, #tpu.memory_space<vmem>>, vector<16xi32>,
        %get3A_54 = vector.shape_cast %get3A_53 : vector<16xi32> to vector<16xi32>
        %mul3A_55 = arith.constant 64 : i32
        %mul3A_56 = vector.broadcast %mul3A_55 : i32 to vector<16xi32>
        %mul3A_57 = arith.muli %get3A_54, %mul3A_56 : vector<16xi32>
        %get3A_58 = arith.index_cast %mul3A_38 : i32 to index
        %get3A_59 = tpu.vector_load %arg14[%get3A_58] {strides = array<i32>} : memref<4096xi32, #tpu.memory_space<vmem>>, vector<16xi32>,
        %get3A_60 = vector.shape_cast %get3A_59 : vector<16xi32> to vector<16xi32>
        %add3A_61 = arith.addi %mul3A_51, %get3A_60 : vector<16xi32>
        %swap3A = arith.index_cast %mul3A_38 : i32 to index
        %swap3A_62 = tpu.vector_load %arg19[%swap3A] {strides = array<i32>} : memref<12288xi32, #tpu.memory_space<vmem>>, vector<16xi32>,
        %swap3A_63 = vector.shape_cast %swap3A_62 : vector<16xi32> to vector<16xi32>
        %swap3A_64 = vector.shape_cast %add3A_61 : vector<16xi32> to vector<16xi32>
        tpu.vector_store %arg19[%swap3A], %swap3A_64 {strides = array<i32>} : memref<12288xi32, #tpu.memory_space<vmem>>, vector<16xi32>,
        %get3A_65 = arith.index_cast %mul3A_38 : i32 to index
        %get3A_66 = tpu.vector_load %arg15[%get3A_65] {strides = array<i32>} : memref<4096xi32, #tpu.memory_space<vmem>>, vector<16xi32>,
        %get3A_67 = vector.shape_cast %get3A_66 : vector<16xi32> to vector<16xi32>
        %add3A_68 = arith.addi %mul3A_51, %get3A_67 : vector<16xi32>
        %swap3A_69 = arith.index_cast %add3A_42 : i32 to index
        %swap3A_70 = tpu.vector_load %arg19[%swap3A_69] {strides = array<i32>} : memref<12288xi32, #tpu.memory_space<vmem>>, vector<16xi32>,
        %swap3A_71 = vector.shape_cast %swap3A_70 : vector<16xi32> to vector<16xi32>
        %swap3A_72 = vector.shape_cast %add3A_68 : vector<16xi32> to vector<16xi32>
        tpu.vector_store %arg19[%swap3A_69], %swap3A_72 {strides = array<i32>} : memref<12288xi32, #tpu.memory_space<vmem>>, vector<16xi32>,
        %get3A_73 = arith.index_cast %mul3A_38 : i32 to index
        %get3A_74 = tpu.vector_load %arg16[%get3A_73] {strides = array<i32>} : memref<4096xi32, #tpu.memory_space<vmem>>, vector<16xi32>,
        %get3A_75 = vector.shape_cast %get3A_74 : vector<16xi32> to vector<16xi32>
        %add3A_76 = arith.addi %mul3A_51, %get3A_75 : vector<16xi32>
        %swap3A_77 = arith.index_cast %add3A_46 : i32 to index
        %swap3A_78 = tpu.vector_load %arg19[%swap3A_77] {strides = array<i32>} : memref<12288xi32, #tpu.memory_space<vmem>>, vector<16xi32>,
        %swap3A_79 = vector.shape_cast %swap3A_78 : vector<16xi32> to vector<16xi32>
        %swap3A_80 = vector.shape_cast %add3A_76 : vector<16xi32> to vector<16xi32>
        tpu.vector_store %arg19[%swap3A_77], %swap3A_80 {strides = array<i32>} : memref<12288xi32, #tpu.memory_space<vmem>>, vector<16xi32>,
        %get3A_81 = arith.index_cast %mul3A_38 : i32 to index
        %get3A_82 = tpu.vector_load %arg14[%get3A_81] {strides = array<i32>} : memref<4096xi32, #tpu.memory_space<vmem>>, vector<16xi32>,
        %get3A_83 = vector.shape_cast %get3A_82 : vector<16xi32> to vector<16xi32>
        %add3A_84 = arith.addi %mul3A_57, %get3A_83 : vector<16xi32>
        %swap3A_85 = arith.index_cast %mul3A_38 : i32 to index
        %swap3A_86 = tpu.vector_load %arg20[%swap3A_85] {strides = array<i32>} : memref<12288xi32, #tpu.memory_space<vmem>>, vector<16xi32>,
        %swap3A_87 = vector.shape_cast %swap3A_86 : vector<16xi32> to vector<16xi32>
        %swap3A_88 = vector.shape_cast %add3A_84 : vector<16xi32> to vector<16xi32>
        tpu.vector_store %arg20[%swap3A_85], %swap3A_88 {strides = array<i32>} : memref<12288xi32, #tpu.memory_space<vmem>>, vector<16xi32>,
        %get3A_89 = arith.index_cast %mul3A_38 : i32 to index
        %get3A_90 = tpu.vector_load %arg15[%get3A_89] {strides = array<i32>} : memref<4096xi32, #tpu.memory_space<vmem>>, vector<16xi32>,
        %get3A_91 = vector.shape_cast %get3A_90 : vector<16xi32> to vector<16xi32>
        %add3A_92 = arith.addi %mul3A_57, %get3A_91 : vector<16xi32>
        %swap3A_93 = arith.index_cast %add3A_42 : i32 to index
        %swap3A_94 = tpu.vector_load %arg20[%swap3A_93] {strides = array<i32>} : memref<12288xi32, #tpu.memory_space<vmem>>, vector<16xi32>,
        %swap3A_95 = vector.shape_cast %swap3A_94 : vector<16xi32> to vector<16xi32>
        %swap3A_96 = vector.shape_cast %add3A_92 : vector<16xi32> to vector<16xi32>
        tpu.vector_store %arg20[%swap3A_93], %swap3A_96 {strides = array<i32>} : memref<12288xi32, #tpu.memory_space<vmem>>, vector<16xi32>,
        %get3A_97 = arith.index_cast %mul3A_38 : i32 to index
        %get3A_98 = tpu.vector_load %arg16[%get3A_97] {strides = array<i32>} : memref<4096xi32, #tpu.memory_space<vmem>>, vector<16xi32>,
        %get3A_99 = vector.shape_cast %get3A_98 : vector<16xi32> to vector<16xi32>
        %add3A_100 = arith.addi %mul3A_57, %get3A_99 : vector<16xi32>
        %swap3A_101 = arith.index_cast %add3A_46 : i32 to index
        %swap3A_102 = tpu.vector_load %arg20[%swap3A_101] {strides = array<i32>} : memref<12288xi32, #tpu.memory_space<vmem>>, vector<16xi32>,
        %swap3A_103 = vector.shape_cast %swap3A_102 : vector<16xi32> to vector<16xi32>
        %swap3A_104 = vector.shape_cast %add3A_100 : vector<16xi32> to vector<16xi32>
        tpu.vector_store %arg20[%swap3A_101], %swap3A_104 {strides = array<i32>} : memref<12288xi32, #tpu.memory_space<vmem>>, vector<16xi32>,
        %scan3A_105 = arith.constant 0 : i32
        scf.yield %scan3A_105 : i32
      }
      %scan3A_20 = arith.constant 256 : i32
      %dma_start3A = arith.constant 0 : i32
      %dma_start3A_21 = tpu.memref_slice %arg2[%dma_start3A] : memref<6400000xf32, #tpu.memory_space<hbm>> -> memref<6400000xf32, #tpu.memory_space<hbm>>
      tpu.enqueue_indirect_dma source(%dma_start3A_21 : memref<6400000xf32, #tpu.memory_space<hbm>>) target(%arg21 : memref<12288xf32, #tpu.memory_space<vmem>>) offsets(%arg19 : memref<12288xi32, #tpu.memory_space<vmem>>) semaphore(%arg24 : memref<!tpu.dma_semaphore, #tpu.memory_space<semaphore_mem>>)
      %dma_start3A_22 = arith.constant 0 : i32
      %dma_start3A_23 = tpu.memref_slice %arg3[%dma_start3A_22] : memref<262144xf32, #tpu.memory_space<hbm>> -> memref<262144xf32, #tpu.memory_space<hbm>>
      tpu.enqueue_indirect_dma source(%dma_start3A_23 : memref<262144xf32, #tpu.memory_space<hbm>>) target(%arg22 : memref<12288xf32, #tpu.memory_space<vmem>>) offsets(%arg20 : memref<12288xi32, #tpu.memory_space<vmem>>) semaphore(%arg24 : memref<!tpu.dma_semaphore, #tpu.memory_space<semaphore_mem>>)
      %dma_wait3A = arith.constant 0 : i32
      %dma_wait3A_24 = tpu.memref_slice %arg2[%dma_wait3A] : memref<6400000xf32, #tpu.memory_space<hbm>> -> memref<6400000xf32, #tpu.memory_space<hbm>>
      tpu.wait_indirect_dma semaphore(%arg24 : memref<!tpu.dma_semaphore, #tpu.memory_space<semaphore_mem>>) src(%dma_wait3A_24 : memref<6400000xf32, #tpu.memory_space<hbm>>) dst(%arg21 : memref<12288xf32, #tpu.memory_space<vmem>>)
      %dma_wait3A_25 = arith.constant 0 : i32
      %dma_wait3A_26 = tpu.memref_slice %arg3[%dma_wait3A_25] : memref<262144xf32, #tpu.memory_space<hbm>> -> memref<262144xf32, #tpu.memory_space<hbm>>
      tpu.wait_indirect_dma semaphore(%arg24 : memref<!tpu.dma_semaphore, #tpu.memory_space<semaphore_mem>>) src(%dma_wait3A_26 : memref<262144xf32, #tpu.memory_space<hbm>>) dst(%arg22 : memref<12288xf32, #tpu.memory_space<vmem>>)
      %scan3A_27 = arith.constant 0 : i32
      %scan3A_28 = arith.constant 0 : i32
      %scan3A_29 = arith.constant 256 : i32
      %scan3A_30 = arith.addi %scan3A_28, %scan3A_29 : i32
      %scan3A_31 = arith.constant 1 : i32
      %scan3A_32 = scf.for %scan3A_35 = %scan3A_28 to %scan3A_30 step %scan3A_31 iter_args(%scan3A_36 = %scan3A_27) -> (i32)  : i32 {
        %mul3A_37 = arith.constant 16 : i32
        %mul3A_38 = arith.muli %scan3A_35, %mul3A_37 : i32
        %mul3A_39 = arith.constant 16 : i32
        %mul3A_40 = arith.muli %scan3A_35, %mul3A_39 : i32
        %add3A_41 = arith.constant 4096 : i32
        %add3A_42 = arith.addi %add3A_41, %mul3A_40 : i32
        %mul3A_43 = arith.constant 16 : i32
        %mul3A_44 = arith.muli %scan3A_35, %mul3A_43 : i32
        %add3A_45 = arith.constant 8192 : i32
        %add3A_46 = arith.addi %add3A_45, %mul3A_44 : i32
        %get3A = arith.index_cast %mul3A_38 : i32 to index
        %get3A_47 = tpu.vector_load %arg21[%get3A] {strides = array<i32>} : memref<12288xf32, #tpu.memory_space<vmem>>, vector<16xf32>,
        %get3A_48 = vector.shape_cast %get3A_47 : vector<16xf32> to vector<16xf32>
        %get3A_49 = arith.index_cast %add3A_42 : i32 to index
        %get3A_50 = tpu.vector_load %arg21[%get3A_49] {strides = array<i32>} : memref<12288xf32, #tpu.memory_space<vmem>>, vector<16xf32>,
        %get3A_51 = vector.shape_cast %get3A_50 : vector<16xf32> to vector<16xf32>
        %get3A_52 = arith.index_cast %add3A_46 : i32 to index
        %get3A_53 = tpu.vector_load %arg21[%get3A_52] {strides = array<i32>} : memref<12288xf32, #tpu.memory_space<vmem>>, vector<16xf32>,
        %get3A_54 = vector.shape_cast %get3A_53 : vector<16xf32> to vector<16xf32>
        %get3A_55 = arith.index_cast %mul3A_38 : i32 to index
        %get3A_56 = tpu.vector_load %arg22[%get3A_55] {strides = array<i32>} : memref<12288xf32, #tpu.memory_space<vmem>>, vector<16xf32>,
        %get3A_57 = vector.shape_cast %get3A_56 : vector<16xf32> to vector<16xf32>
        %get3A_58 = arith.index_cast %add3A_42 : i32 to index
        %get3A_59 = tpu.vector_load %arg22[%get3A_58] {strides = array<i32>} : memref<12288xf32, #tpu.memory_space<vmem>>, vector<16xf32>,
        %get3A_60 = vector.shape_cast %get3A_59 : vector<16xf32> to vector<16xf32>
        %get3A_61 = arith.index_cast %add3A_46 : i32 to index
        %get3A_62 = tpu.vector_load %arg22[%get3A_61] {strides = array<i32>} : memref<12288xf32, #tpu.memory_space<vmem>>, vector<16xf32>,
        %get3A_63 = vector.shape_cast %get3A_62 : vector<16xf32> to vector<16xf32>
        %jit3A = arith.constant -7.000000e+02 : f32
        %jit3A_64 = arith.constant 7.000000e+02 : f32
        %max3A = vector.broadcast %jit3A : f32 to vector<16xf32>
        %max3A_65 = arith.maximumf %max3A, %get3A_51 : vector<16xf32>
        %min3A = vector.broadcast %jit3A_64 : f32 to vector<16xf32>
        %min3A_66 = arith.minimumf %min3A, %max3A_65 : vector<16xf32>
        %exp3A = math.exp %min3A_66 : vector<16xf32>
        %max3A_67 = arith.constant 9.99999997E-7 : f32
        %max3A_68 = vector.broadcast %max3A_67 : f32 to vector<16xf32>
        %max3A_69 = arith.maximumf %exp3A, %max3A_68 : vector<16xf32>
        %jit3A_70 = arith.constant -7.000000e+02 : f32
        %jit3A_71 = arith.constant 7.000000e+02 : f32
        %max3A_72 = vector.broadcast %jit3A_70 : f32 to vector<16xf32>
        %max3A_73 = arith.maximumf %max3A_72, %get3A_48 : vector<16xf32>
        %min3A_74 = vector.broadcast %jit3A_71 : f32 to vector<16xf32>
        %min3A_75 = arith.minimumf %min3A_74, %max3A_73 : vector<16xf32>
        %exp3A_76 = math.exp %min3A_75 : vector<16xf32>
        %max3A_77 = arith.constant 9.99999997E-7 : f32
        %max3A_78 = vector.broadcast %max3A_77 : f32 to vector<16xf32>
        %max3A_79 = arith.maximumf %exp3A_76, %max3A_78 : vector<16xf32>
        %div3A = arith.divf %max3A_69, %max3A_79 : vector<16xf32>
        %get3A_80 = arith.index_cast %mul3A_38 : i32 to index
        %get3A_81 = tpu.vector_load %arg17[%get3A_80] {strides = array<i32>} : memref<4096xf32, #tpu.memory_space<vmem>>, vector<16xf32>,
        %get3A_82 = vector.shape_cast %get3A_81 : vector<16xf32> to vector<16xf32>
        %ge3A = arith.cmpf oge, %get3A_82, %div3A : vector<16xf32>
        %select_n3A = arith.select %ge3A, %get3A_57, %get3A_60 : vector<16xi1>, vector<16xf32>
        %jit3A_83 = arith.constant -7.000000e+02 : f32
        %jit3A_84 = arith.constant 7.000000e+02 : f32
        %max3A_85 = vector.broadcast %jit3A_83 : f32 to vector<16xf32>
        %max3A_86 = arith.maximumf %max3A_85, %get3A_63 : vector<16xf32>
        %min3A_87 = vector.broadcast %jit3A_84 : f32 to vector<16xf32>
        %min3A_88 = arith.minimumf %min3A_87, %max3A_86 : vector<16xf32>
        %exp3A_89 = math.exp %min3A_88 : vector<16xf32>
        %max3A_90 = arith.constant 9.99999997E-7 : f32
        %max3A_91 = vector.broadcast %max3A_90 : f32 to vector<16xf32>
        %max3A_92 = arith.maximumf %exp3A_89, %max3A_91 : vector<16xf32>
        %jit3A_93 = arith.constant -7.000000e+02 : f32
        %jit3A_94 = arith.constant 7.000000e+02 : f32
        %max3A_95 = vector.broadcast %jit3A_93 : f32 to vector<16xf32>
        %max3A_96 = arith.maximumf %max3A_95, %select_n3A : vector<16xf32>
        %min3A_97 = vector.broadcast %jit3A_94 : f32 to vector<16xf32>
        %min3A_98 = arith.minimumf %min3A_97, %max3A_96 : vector<16xf32>
        %exp3A_99 = math.exp %min3A_98 : vector<16xf32>
        %max3A_100 = arith.constant 9.99999997E-7 : f32
        %max3A_101 = vector.broadcast %max3A_100 : f32 to vector<16xf32>
        %max3A_102 = arith.maximumf %exp3A_99, %max3A_101 : vector<16xf32>
        %div3A_103 = arith.divf %max3A_92, %max3A_102 : vector<16xf32>
        %get3A_104 = arith.index_cast %mul3A_38 : i32 to index
        %get3A_105 = tpu.vector_load %arg18[%get3A_104] {strides = array<i32>} : memref<4096xf32, #tpu.memory_space<vmem>>, vector<16xf32>,
        %get3A_106 = vector.shape_cast %get3A_105 : vector<16xf32> to vector<16xf32>
        %ge3A_107 = arith.cmpf oge, %get3A_106, %div3A_103 : vector<16xf32>
        %select_n3A_108 = arith.select %ge3A, %get3A_48, %get3A_51 : vector<16xi1>, vector<16xf32>
        %select_n3A_109 = arith.select %ge3A_107, %select_n3A_108, %get3A_54 : vector<16xi1>, vector<16xf32>
        %select_n3A_110 = arith.select %ge3A_107, %select_n3A, %get3A_63 : vector<16xi1>, vector<16xf32>
        %add3A_111 = arith.addf %select_n3A_110, %select_n3A_109 : vector<16xf32>
        %swap3A = arith.index_cast %mul3A_38 : i32 to index
        %swap3A_112 = tpu.vector_load %arg23[%swap3A] {strides = array<i32>} : memref<4096xf32, #tpu.memory_space<vmem>>, vector<16xf32>,
        %swap3A_113 = vector.shape_cast %swap3A_112 : vector<16xf32> to vector<16xf32>
        %swap3A_114 = vector.shape_cast %add3A_111 : vector<16xf32> to vector<16xf32>
        tpu.vector_store %arg23[%swap3A], %swap3A_114 {strides = array<i32>} : memref<4096xf32, #tpu.memory_space<vmem>>, vector<16xf32>,
        %scan3A_115 = arith.constant 0 : i32
        scf.yield %scan3A_115 : i32
      }
      %scan3A_33 = arith.constant 256 : i32
      "tpu.region"() ({
        %run_scoped3A = tpu.sem_alloc : memref<!tpu.dma_semaphore, #tpu.memory_space<semaphore_mem>>
        %dma_start3A_35 = tpu.memref_slice %arg11[%add3A_13] : memref<524288xf32, #tpu.memory_space<hbm>> -> memref<4096xf32, #tpu.memory_space<hbm>>
        %dma_start3A_36 = tpu.memref_slice %arg11[%add3A_13] : memref<524288xf32, #tpu.memory_space<hbm>> -> memref<4096xf32, #tpu.memory_space<hbm>>
        tpu.enqueue_dma source(%arg23 : memref<4096xf32, #tpu.memory_space<vmem>>) target(%dma_start3A_36 : memref<4096xf32, #tpu.memory_space<hbm>>) target_semaphore(%run_scoped3A : memref<!tpu.dma_semaphore, #tpu.memory_space<semaphore_mem>>)
        %dma_wait3A_37 = tpu.memref_slice %arg11[%add3A_13] : memref<524288xf32, #tpu.memory_space<hbm>> -> memref<4096xf32, #tpu.memory_space<hbm>>
        %dma_wait3A_38 = tpu.memref_slice %arg11[%add3A_13] : memref<524288xf32, #tpu.memory_space<hbm>> -> memref<4096xf32, #tpu.memory_space<hbm>>
        tpu.wait_dma2 semaphore(%run_scoped3A : memref<!tpu.dma_semaphore, #tpu.memory_space<semaphore_mem>>) src(%arg23 : memref<4096xf32, #tpu.memory_space<vmem>>) dst(%dma_wait3A_38 : memref<4096xf32, #tpu.memory_space<hbm>>)
        tpu.yield
      }) : () -> ()
      %scan3A_34 = arith.constant 0 : i32
      scf.yield %scan3A_34 : i32
    }
    %scan3A_8 = arith.constant 4 : i32
    return
  }
}

module attributes {stable_mosaic.version = 14 : i64} {
  func.func @_eta_body(%arg0: i32, %arg1: memref<512x64xf32, #tpu.memory_space<vmem>>, %arg2: memref<1x64xf32, #tpu.memory_space<vmem>>, %arg3: memref<2x512x64xf32, #tpu.memory_space<vmem>>, %arg4: memref<512x64xf32, #tpu.memory_space<vmem>>, %arg5: memref<512x64xf32, #tpu.memory_space<vmem>>) attributes {dimension_semantics = [#tpu.dimension_semantics<arbitrary>], iteration_bounds = array<i64: 8>, scalar_prefetch = 0 : i64, scratch_operands = 0 : i64, tpu.core_type = #tpu.core_type<tc>, window_params = [{transform_indices = @transform_0, window_bounds = array<i64: 512, 64>}, {pipeline_mode = #tpu.pipeline_mode<synchronous>, transform_indices = @transform_1, window_bounds = array<i64: 1, 64>}, {transform_indices = @transform_2, window_bounds = array<i64: 2, 512, 64>}, {transform_indices = @transform_3, window_bounds = array<i64: 512, 64>}, {transform_indices = @transform_4, window_bounds = array<i64: 512, 64>}]} {
    %get3A = arith.constant 0 : index
    %get3A_0 = arith.constant 0 : index
    %get3A_1 = vector.load %arg1[%get3A, %get3A_0] : memref<512x64xf32, #tpu.memory_space<vmem>>, vector<512x64xf32>
    %get3A_2 = arith.constant 0 : index
    %get3A_3 = arith.constant 0 : index
    %get3A_4 = arith.constant 0 : index
    %get3A_5 = vector.load %arg3[%get3A_2, %get3A_3, %get3A_4] : memref<2x512x64xf32, #tpu.memory_space<vmem>>, vector<1x512x64xf32>
    %get3A_6 = vector.shape_cast %get3A_5 : vector<1x512x64xf32> to vector<512x64xf32>
    %get3A_7 = arith.constant 1 : index
    %get3A_8 = arith.constant 0 : index
    %get3A_9 = arith.constant 0 : index
    %get3A_10 = vector.load %arg3[%get3A_7, %get3A_8, %get3A_9] : memref<2x512x64xf32, #tpu.memory_space<vmem>>, vector<1x512x64xf32>
    %get3A_11 = vector.shape_cast %get3A_10 : vector<1x512x64xf32> to vector<512x64xf32>
    %add3A = arith.addf %get3A_6, %get3A_11 : vector<512x64xf32>
    %reduce_sum3A = arith.constant dense<0.000000e+00> : vector<512xf32>
    %reduce_sum3A_12 = vector.multi_reduction <add>, %add3A, %reduce_sum3A [1] : vector<512x64xf32> to vector<512xf32>
    %broadcast_in_dim3A = vector.shape_cast %reduce_sum3A_12 : vector<512xf32> to vector<512x1xf32>
    %reduce_max3A = arith.constant dense<0xFF800000> : vector<512xf32>
    %reduce_max3A_13 = vector.multi_reduction <maximumf>, %get3A_1, %reduce_max3A [1] : vector<512x64xf32> to vector<512xf32>
    %broadcast_in_dim3A_14 = vector.shape_cast %reduce_max3A_13 : vector<512xf32> to vector<512x1xf32>
    %sub3A = vector.broadcast %broadcast_in_dim3A_14 : vector<512x1xf32> to vector<512x64xf32>
    %sub3A_15 = arith.subf %get3A_1, %sub3A : vector<512x64xf32>
    %exp3A = math.exp %sub3A_15 : vector<512x64xf32>
    %reduce_sum3A_16 = arith.constant dense<0.000000e+00> : vector<512xf32>
    %reduce_sum3A_17 = vector.multi_reduction <add>, %exp3A, %reduce_sum3A_16 [1] : vector<512x64xf32> to vector<512xf32>
    %broadcast_in_dim3A_18 = vector.shape_cast %reduce_sum3A_17 : vector<512xf32> to vector<512x1xf32>
    %div3A = vector.broadcast %broadcast_in_dim3A_18 : vector<512x1xf32> to vector<512x64xf32>
    %div3A_19 = arith.divf %exp3A, %div3A : vector<512x64xf32>
    %get3A_20 = arith.constant 0 : index
    %get3A_21 = arith.constant 0 : index
    %get3A_22 = vector.load %arg2[%get3A_20, %get3A_21] : memref<1x64xf32, #tpu.memory_space<vmem>>, vector<1x64xf32>
    %sub3A_23 = vector.broadcast %get3A_22 : vector<1x64xf32> to vector<512x64xf32>
    %sub3A_24 = arith.subf %sub3A_23, %get3A_1 : vector<512x64xf32>
    %div3A_25 = arith.constant 5.000000e-02 : f32
    %div3A_26 = vector.broadcast %div3A_25 : f32 to vector<512x64xf32>
    %div3A_27 = arith.divf %sub3A_24, %div3A_26 : vector<512x64xf32>
    %mul3A = vector.broadcast %broadcast_in_dim3A : vector<512x1xf32> to vector<512x64xf32>
    %mul3A_28 = arith.mulf %mul3A, %div3A_19 : vector<512x64xf32>
    %sub3A_29 = arith.subf %add3A, %mul3A_28 : vector<512x64xf32>
    %add3A_30 = arith.addf %sub3A_29, %div3A_27 : vector<512x64xf32>
    %mul3A_31 = arith.constant 0.00341510074 : f32
    %mul3A_32 = vector.broadcast %mul3A_31 : f32 to vector<512x64xf32>
    %mul3A_33 = arith.mulf %mul3A_32, %add3A_30 : vector<512x64xf32>
    %add3A_34 = arith.addf %get3A_1, %mul3A_33 : vector<512x64xf32>
    %get3A_35 = arith.constant 0 : index
    %get3A_36 = arith.constant 0 : index
    %get3A_37 = vector.load %arg4[%get3A_35, %get3A_36] : memref<512x64xf32, #tpu.memory_space<vmem>>, vector<512x64xf32>
    %add3A_38 = arith.addf %add3A_34, %get3A_37 : vector<512x64xf32>
    %swap3A = arith.constant 0 : index
    %swap3A_39 = arith.constant 0 : index
    %swap3A_40 = vector.load %arg5[%swap3A, %swap3A_39] : memref<512x64xf32, #tpu.memory_space<vmem>>, vector<512x64xf32>
    tpu.vector_store %arg5[%swap3A, %swap3A_39], %add3A_38 {strides = array<i32>} : memref<512x64xf32, #tpu.memory_space<vmem>>, vector<512x64xf32>,
    return
  }
  func.func @transform_0(%arg0: i32) -> (i32, i32) {
    %c0_i32 = arith.constant 0 : i32
    %c0_i32_0 = arith.constant 0 : i32
    return %arg0, %c0_i32 : i32, i32
  }
  func.func @transform_1(%arg0: i32) -> (i32, i32) {
    %c0_i32 = arith.constant 0 : i32
    %c0_i32_0 = arith.constant 0 : i32
    %c0_i32_1 = arith.constant 0 : i32
    return %c0_i32, %c0_i32_0 : i32, i32
  }
  func.func @transform_2(%arg0: i32) -> (i32, i32, i32) {
    %c0_i32 = arith.constant 0 : i32
    %c0_i32_0 = arith.constant 0 : i32
    %c0_i32_1 = arith.constant 0 : i32
    return %c0_i32, %arg0, %c0_i32_0 : i32, i32, i32
  }
  func.func @transform_3(%arg0: i32) -> (i32, i32) {
    %c0_i32 = arith.constant 0 : i32
    %c0_i32_0 = arith.constant 0 : i32
    return %arg0, %c0_i32 : i32, i32
  }
  func.func @transform_4(%arg0: i32) -> (i32, i32) {
    %c0_i32 = arith.constant 0 : i32
    %c0_i32_0 = arith.constant 0 : i32
    return %arg0, %c0_i32 : i32, i32
  }
}

</mosaic_0001>

<sc_bundles>
// kernel: kernel.10.cloned.1.call-start
scs
__scs_entry_jumppad:
0x0: {  	(pc) =	sbr.rel $0x88, $3  }
0x1: {  	(tag) =	ssettag $0x0;
	lr =	simm.s32 $0x1  }
0x2: {  	[smem:$0x3F9B] =	sst lr;
	_ =	strace $0xD0000000  }
0x3: {  	_ = 	snop  }
0x4: {  	_ = 	snop  }
0x5: {  	_ = 	snop  }
0x6: {  	_ = 	snop  }
0x7: {  	_ = 	snop  }
__scs_overlays_trampoline_lowered:
0x8: {  	[smem:$0x3FAA] =	sst s0  }
0x9: {  	[smem:$0x3FAB] =	sst s1  }
0xa: {  	[smem:$0x3FAC] =	sst s2  }
0xb: {  	[smem:$0x3FAD] =	sst s3  }
0xc: {  	[smem:$0x3FAE] =	sst s4  }
0xd: {  	[smem:$0x3FAF] =	sst s5  }
0xe: {  	[smem:$0x3FB0] =	sst s6  }
0xf: {  	[smem:$0x3FB1] =	sst s7  }
0x10: {  	[smem:$0x3FB2] =	sst s8  }
0x11: {  	[smem:$0x3FB3] =	sst s9;
	s0 =	simm.s32 @!p0 $0x0  }
0x12: {  	s1 =	sld [smem:$0x3F99];
	s0 =	simm.s32 @p0 $0x1  }
0x13: {  	[smem:$0x3FB4] =	sst s0;
	s0 =	simm.s32 @!p1 $0x0  }
0x14: {  	s2 =	sld [smem:$0x3F98];
	s0 =	simm.s32 @p1 $0x1  }
0x15: {  	[smem:$0x3FB5] =	sst s0;
	s0 =	simm.s32 @!p2 $0x0  }
0x16: {  	s3 =	sld [smem:$0x3FDB];
	s0 =	simm.s32 @p2 $0x1  }
0x17: {  	s4 =	simm.s32 $0x1BF5;
	[smem:$0x3FB7] =	sst s0  }
0x18: {  	s0 =	sld [smem:$0x3F9A];
	_ =	swait.ge [sflag:s4], $0x0  }
0x19: {  	s7 =	sld [smem:$0x3F9B]  }
0x1a: {  	s8 =	sadd.s32 $0xFFFFE003, lr  }
0x1b: {  	s9 =	sadd.s32 $0xFFFFFEF7, lr;
	s5 =	simm.s32 $0xFFFFFFFF;
	p2 =	slt.u32 s8, $0xFFFFF086  }
0x1c: {  	p1 =	slt.u32 s9, $0xF7A;
	s5 =	simm.s32 @!p2 $0x0  }
0x1d: {  	s5 =	simm.s32 @p1 $0x1;
	p0 =	seq.s32 s7, s2  }
0x1e: {  	s7 =	smul.u32 @!p0 $0xF7A, s2;
	p2 =	seq.s32 @!p0 s5, $0x0  }
0x1f: {  	s9 =	smul.u32 $0xF7A, s1;
	s8 =	simm.s32 @!p0 $0x1BF5;
	p2 =	por !p2, p0  }
0x20: {  	[sflag:s8] =	ssyncset.s32 @!p0 $0xFFFFF086;
	s6 =	sadd.s32 @!p0 s3, s7;
	s7 =	simm.s32 @!p0 $0x108  }
0x21: {  	s3 =	sadd.s32 s3, s9;
	s6 =	sadd.s32 @!p0 $0x88, s6;
	s7 =	simm.s32 @p2 $0x1082  }
0x22: {  	[simem:s7], [sflag:s8] =	dma.local @!p0 [hbm:s6], $0xF7A  }
0x23: {  	s9 =	sor.u32 $0xD0000000, s2;
	s6 =	simm.s32 $0x108;
	_ =	swait.ge @!p0 [sflag:s8], $0x0  }
0x24: {  	s3 =	sadd.s32 $0x88, s3;
	s6 =	simm.s32 @!p1 $0x1082;
	[sflag:s4] =	ssyncset.s32 $0xFFFFF086  }
0x25: {  	[simem:s6], [sflag:s4] =	dma.local [hbm:s3], $0xF7A  }
0x26: {  	[smem:$0x3F9B] =	sst s1;
	(tag) =	ssettag s2;
	_ =	strace s9  }
0x27: {  	s1 =	sld [smem:$0x3FAB]  }
0x28: {  	s2 =	sld [smem:$0x3FAC]  }
0x29: {  	s4 =	sld [smem:$0x3FAE]  }
0x2a: {  	p0 =	seq.s32 s5, $0x0;
	s5 =	sld [smem:$0x3FAF]  }
0x2b: {  	s6 =	sld [smem:$0x3FB0]  }
0x2c: {  	s7 =	sld [smem:$0x3FB1]  }
0x2d: {  	s3 =	simm.s32 $0x108;
	s8 =	sld [smem:$0x3FB2]  }
0x2e: {  	s3 =	simm.s32 @!p0 $0x1082;
	s9 =	sld [smem:$0x3FB3]  }
0x2f: {  	lr =	sadd.s32 s0, s3;
	s0 =	sld [smem:$0x3FAA]  }
0x30: {  	s3 =	sld [smem:$0x3FAD]  }
0x31: {  	[smem:$0x3FB6] =	sst s10  }
0x32: {  	s10 =	sld [smem:$0x3FB4];
	_ =	sdelay $0x3  }
0x33: {  	p0 =	seq.s32 s10, $0x1;
	s10 =	sld [smem:$0x3FB6];
	_ =	sdelay $0x3  }
0x34: {  	[smem:$0x3FB6] =	sst s10  }
0x35: {  	s10 =	sld [smem:$0x3FB5];
	_ =	sdelay $0x3  }
0x36: {  	p1 =	seq.s32 s10, $0x1;
	s10 =	sld [smem:$0x3FB6];
	_ =	sdelay $0x3  }
0x37: {  	[smem:$0x3FB6] =	sst s10  }
0x38: {  	s10 =	sld [smem:$0x3FB7]  }
0x39: {  	_ = 	snop;
	(pc) =	sbr.ind lr, $3  }
0x3a: {  	_ = 	snop  }
0x3b: {  	_ = 	snop  }
0x3c: {  	p2 =	seq.s32 s10, $0x1;
	s10 =	sld [smem:$0x3FB6]  }
0x3d: {  	_ =	shalt  }
0x3e: {  	_ =	shalt  }
0x3f: {  	_ =	shalt  }
0x40: {  	_ =	shalt  }
0x41: {  	_ =	shalt  }
0x42: {  	_ =	shalt  }
0x43: {  	_ =	shalt  }
0x44: {  	_ =	shalt  }
0x45: {  	_ =	shalt  }
0x46: {  	_ =	shalt  }
0x47: {  	_ =	shalt  }
0x48: {  	_ =	shalt  }
0x49: {  	_ =	shalt  }
0x4a: {  	_ =	shalt  }
0x4b: {  	_ =	shalt  }
0x4c: {  	_ =	shalt  }
0x4d: {  	_ =	shalt  }
0x4e: {  	_ =	shalt  }
0x4f: {  	_ =	shalt  }
0x50: {  	_ =	shalt  }
0x51: {  	_ =	shalt  }
0x52: {  	_ =	shalt  }
0x53: {  	_ =	shalt  }
0x54: {  	_ =	shalt  }
0x55: {  	_ =	shalt  }
0x56: {  	_ =	shalt  }
0x57: {  	_ =	shalt  }
0x58: {  	_ =	shalt  }
0x59: {  	_ =	shalt  }
0x5a: {  	_ =	shalt  }
0x5b: {  	_ =	shalt  }
0x5c: {  	_ =	shalt  }
0x5d: {  	_ =	shalt  }
0x5e: {  	_ =	shalt  }
0x5f: {  	_ =	shalt  }
0x60: {  	_ =	shalt  }
0x61: {  	_ =	shalt  }
0x62: {  	_ =	shalt  }
0x63: {  	_ =	shalt  }
0x64: {  	_ =	shalt  }
0x65: {  	_ =	shalt  }
0x66: {  	_ =	shalt  }
0x67: {  	_ =	shalt  }
0x68: {  	_ =	shalt  }
0x69: {  	_ =	shalt  }
0x6a: {  	_ =	shalt  }
0x6b: {  	_ =	shalt  }
0x6c: {  	_ =	shalt  }
0x6d: {  	_ =	shalt  }
0x6e: {  	_ =	shalt  }
0x6f: {  	_ =	shalt  }
0x70: {  	_ =	shalt  }
0x71: {  	_ =	shalt  }
0x72: {  	_ =	shalt  }
0x73: {  	_ =	shalt  }
0x74: {  	_ =	shalt  }
0x75: {  	_ =	shalt  }
0x76: {  	_ =	shalt  }
0x77: {  	_ =	shalt  }
0x78: {  	_ =	shalt  }
0x79: {  	_ =	shalt  }
0x7a: {  	_ =	shalt  }
0x7b: {  	_ =	shalt  }
0x7c: {  	_ =	shalt  }
0x7d: {  	_ =	shalt  }
0x7e: {  	_ =	shalt  }
0x7f: {  	_ =	shalt  }
0x80: {  	_ =	shalt  }
0x81: {  	_ =	shalt  }
0x82: {  	_ =	shalt  }
0x83: {  	_ =	shalt  }
0x84: {  	_ =	shalt  }
0x85: {  	_ =	shalt  }
0x86: {  	_ =	shalt  }
0x87: {  	_ =	shalt  }
.Lfunc_end0:
.L_simem_size_0:
called_computation.1_lowered:
.L_overlay_start_0:
0x88: {  	s2 =	sld [smem:$0x3FD9]  }
0x89: {  	s3 =	sld [smem:$0x3FFE];
	_ =	sdelay $0x1  }
0x8a: {  	s1 =	srdreg.scid  }
0x8b: {  	s0 =	sand.u32 $0x1, s1  }
0x8c: {  	s17 =	sshll.u32 s0, $0xA;
	s2 =	sadd.s32 s3, s2  }
0x8d: {  	s2 =	sadd.s32 s2, s17  }
0x8e: {  	[smem:$0x3FC2] =	sst s2  }
0x8f: {  	_ = 	snop  }
0x90: {  	s2 =	sld [smem:$0x3FC6]  }
0x91: {  	s18 =	sld [smem:$0x3FC5]  }
0x92: {  	s4 =	sld [smem:$0x3FC4]  }
0x93: {  	s5 =	sld [smem:$0x3FD0];
	(tm) =	ssettm $0x1  }
0x94: {  	s6 =	sld [smem:$0x3FFB];
	_ =	sdelay $0x3  }
0x95: {  	_ =	strace s6  }
0x96: {  	s6 =	sld [smem:$0x3FFC];
	_ =	sdelay $0x3  }
0x97: {  	_ =	strace s6  }
0x98: {  	s6 =	sld [smem:$0x3FFD];
	_ =	sdelay $0x3  }
0x99: {  	_ =	strace s6  }
0x9a: {  	_ =	strace $0x8FFFFFFF  }
0x9b: {  	s19 =	sld [smem:$0x3FDB];
	_ =	sdelay $0x1  }
0x9c: {  	s7 =	simm.s32 $_scs_section_size  }
0x9d: {  	s8 =	simm.s32 $_size__tile_overlayer_lowered;
	s9 =	simm.s32 $_tile_overlayer_lowered  }
0x9e: {  	s22 =	simm.s32 $0x1BFF;
	s21 =	sshll.u32 s9, $0x1;
	s6 =	sadd.s32 s7, s19  }
0x9f: {  	s10 =	simm.s32 $0x0;
	s20 =	sshll.u32 s8, $0x1;
	s8 =	sadd.s32 s21, s6  }
0xa0: {  	[timem:s10], [sflag:s22] =	dma.local [hbm:s8], s20  }
0xa1: {  	_ =	swait.ge [sflag:s22], s20  }
0xa2: {  	s7 =	ssub.s32 $0x0, s20;
	[sflag:s22] =	ssyncset.done $0x0  }
0xa3: {  	[sflag:s22] =	ssyncadd.s32 s7;
	_ =	sdelay $0x1  }
0xa4: {  	s23 =	simm.s32 $0x1B8B  }
0xa5: {  	_ =	swait.ge [sflag:s23], $0x1  }
0xa6: {  	[sflag:s23] =	ssyncset.done $0x0  }
0xa7: {  	s25 =	simm.s32 $0x1B8E;
	s24 =	sld [smem:$0x3FFE];
	[sflag:s23] =	ssyncadd.s32 $0xFFFFFFFF  }
0xa8: {  	s26 =	simm.s32 $execute0_lowered;
	[smem:$0x3FD2] =	sst s25  }
0xa9: {  	s8 =	sshll.u32 s26, $0x1;
	_ =	strace $0x80000049;
	[dreg:$0x1] =	wrdreg $0xFFFFFFFF  }
0xaa: {  	s28 =	simm.s32 $_size_execute0_lowered;
	s6 =	sadd.s32 s6, s8;
	[dreg:$0x0] =	wrdreg $0x0  }
0xab: {  	s8 =	sshll.u32 s28, $0x1;
	[dreg:$0x2] =	wrdreg s6  }
0xac: {  	[dreg:$0x3] =	wrdreg s8  }
0xad: {  	[dreg:$0x4] =	wrdreg $0xC0  }
0xae: {  	_ =	task [dreg:s10], $0x5FFFF  }
0xaf: {  	[dreg:$0x1] =	wrdreg $0xFFFFFFFF  }
0xb0: {  	[dreg:$0x0] =	wrdreg $0x60  }
0xb1: {  	[dreg:$0x2] =	wrdreg s24  }
0xb2: {  	[dreg:$0x3] =	wrdreg s2  }
0xb3: {  	[dreg:$0x4] =	wrdreg s18  }
0xb4: {  	[dreg:$0x5] =	wrdreg s4  }
0xb5: {  	[dreg:$0x6] =	wrdreg s5  }
0xb6: {  	[dreg:$0x7] =	wrdreg $0x9  }
0xb7: {  	_ =	task.clear_ibuf [dreg:s10], $0x8FFFF;
	_ =	strace $0x90000049  }
0xb8: {  	s29 =	simm.s32 $0x9;
	_ =	strace $0x8000004B  }
0xb9: {  	_ =	swait.ge [sflag:s29], $0x1  }
0xba: {  	[sflag:s29] =	ssyncadd.s32 $0xFFFFFFFF  }
0xbb: {  	_ =	strace $0x9000004B  }
0xbc: {  	_ =	sfence  }
0xbd: {  	s30 =	sld [smem:$0x0];
	_ =	sdelay $0x2  }
0xbe: {  	s31 =	sshll.u32 s1, $0xD;
	s1 =	sshrl.u32 s1, $0x2  }
0xbf: {  	s3 =	sand.u32 $0x4000, s31;
	s1 =	sadd.s32 s1, s30  }
0xc0: {  	s0 =	sor.u32 s3, s0;
	s1 =	sshll.u32 s1, $0x11  }
0xc1: {  	s0 =	sor.u32 s1, s0  }
0xc2: {  	s0 =	sadd.s32 $0x8F2B, s0  }
0xc3: {  	[sflag:s0] =	ssyncadd.remote.s32 $0x1  }
0xc4: {  	_ =	sfence.sel $0xFFFF  }
0xc5: {  	[dreg:$0x0] =	wrdreg $0xFFFFFFFF;
	(pc) =	sbr.abs _section_cstart, $3  }
0xc6: {  	[dreg:$0x1] =	wrdreg $0xFFFFFFFF  }
0xc7: {  	_ =	task.clear_ibuf [dreg:s10], $0x2FFFF;
	_ =	strace $0x9FFFFFFF  }
0xc8: {  	(tm) =	ssettm $0x7FFFFFFF  }
0xc9: {  	_ =	shalt  }
tec
execute0_lowered:
.L_overlay_start_1:
0x0: {  	(tag) =	ssettag $0x1  }
0x1: {  	s0 =	rddreg [dreg:$0x0]  }
0x2: {  	s4 =	rddreg [dreg:$0x4];
	s5 =	simm.s32 $0x0  }
0x3: {  	s1 =	srdreg.scid;
	s8 =	stileid.u32;
	s15 =	simm.s32 $0x2  }
0x4: {  	s16 =	simm.s32 $0x1000;
	s17 =	simm.s32 $0x2000;
	s18 =	simm.s32 $0x3000  }
0x5: {  	s19 =	simm.s32 $0x4000;
	s20 =	simm.s32 $0x5000;
	s21 =	simm.s32 $0x6000  }
0x6: {  	s22 =	simm.s32 $0x7000;
	s23 =	simm.s32 $0xD000;
	s24 =	simm.s32 $0xA000  }
0x7: {  	s25 =	simm.s32 $0x10000;
	s26 =	simm.s32 $0x1;
	s28 =	simm.s32 $0x13000  }
0x8: {  	[smem:$0x7FF] =	sst s5;
	s6 =	sadd.s32 $0x187000, s0;
	s1 =	sand.u32 $0x1, s1  }
0x9: {  	s7 =	sadd.s32 $0x42000, s0;
	s9 =	sadd.s32 $0x22000, s0;
	s2 =	ssub.s32 $0x2, s1  }
0xa: {  	s10 =	sadd.s32 $0x32000, s0;
	s11 =	sadd.s32 $0x2000, s0;
	s3 =	sshrl.u32 s2, $0x1  }
0xb: {  	s8 =	sshll.u32 s8, $0xC;
	s12 =	sadd.s32 $0x12000, s0;
	s31 =	ssub.s32 s2, s3  }
0xc: {  	_ =	strace $0x8000004A;
	s1 =	sshll.u32 s1, $0xB;
	s0 =	smax.u32 s31, $0x1  }
0xd: {  	s13 =	sor.u32 s1, s8;
	s1 =	simm.s32 $0x0;
	[dreg:$0x6] =	wrdreg s0  }
.LBB2_1:
0xe: {  	[dreg:$0x7] =	wrdreg s1;
	s30 =	simm.s32 $0x0  }
.LBB2_2:
0xf: {  	s0 =	sshll.u32 s30, $0x9  }
0x10: {  	s14 =	rddreg [dreg:$0x1];
	s31 =	sadd.s32 s13, s0  }
0x11: {  	s1 =	simm.s32 $0x0;
	s0 =	sadd.s32 s14, s31  }
0x12: {  	[tilespmem:s1], [sflag:$0x2] =	stream.linear.gather [hbm4b:s0+s1], $0x1000, $0x38;
	[tilespmem:$0x14000] =	vst v63  }
0x13: {  	_ =	swait.ge [sflag:s15], $0x1000  }
0x14: {  	[sflag:s15] =	ssyncset.done $0x0  }
0x15: {  	[sflag:s15] =	ssyncadd.s32 $0xFFFFF000  }
0x16: {  	s29 =	rddreg [dreg:$0x2]  }
0x17: {  	s0 =	sadd.s32 s29, s31  }
0x18: {  	[tilespmem:s16], [sflag:$0x2] =	stream.linear.gather [hbm4b:s0+s1], $0x1000, $0x38;
	[tilespmem:$0x14000] =	vst v63  }
0x19: {  	_ =	swait.ge [sflag:s15], $0x1000  }
0x1a: {  	[sflag:s15] =	ssyncset.done $0x0  }
0x1b: {  	[sflag:s15] =	ssyncadd.s32 $0xFFFFF000  }
0x1c: {  	s2 =	rddreg [dreg:$0x3]  }
0x1d: {  	s0 =	sadd.s32 s2, s31  }
0x1e: {  	[tilespmem:s17], [sflag:$0x2] =	stream.linear.gather [hbm4b:s0+s1], $0x1000, $0x38;
	[tilespmem:$0x14000] =	vst v63  }
0x1f: {  	_ =	swait.ge [sflag:s15], $0x1000  }
0x20: {  	[sflag:s15] =	ssyncset.done $0x0  }
0x21: {  	s3 =	sadd.s32 s9, s31;
	[sflag:s15] =	ssyncadd.s32 $0xFFFFF000  }
0x22: {  	[tilespmem:s18], [sflag:$0x2] =	stream.linear.gather [hbm4b:s3+s1], $0x1000, $0x38;
	[tilespmem:$0x14000] =	vst v63  }
0x23: {  	_ =	swait.ge [sflag:s15], $0x1000  }
0x24: {  	[sflag:s15] =	ssyncset.done $0x0  }
0x25: {  	s8 =	sadd.s32 s10, s31;
	[sflag:s15] =	ssyncadd.s32 $0xFFFFF000  }
0x26: {  	[tilespmem:s19], [sflag:$0x2] =	stream.linear.gather [hbm4b:s8+s1], $0x1000, $0x38;
	[tilespmem:$0x14000] =	vst v63  }
0x27: {  	_ =	swait.ge [sflag:s15], $0x1000  }
0x28: {  	[sflag:s15] =	ssyncset.done $0x0  }
0x29: {  	s14 =	sadd.s32 s11, s31;
	[sflag:s15] =	ssyncadd.s32 $0xFFFFF000  }
0x2a: {  	[tilespmem:s20], [sflag:$0x2] =	stream.linear.gather [hbm4b:s14+s1], $0x1000, $0x38;
	[tilespmem:$0x14000] =	vst v63  }
0x2b: {  	_ =	swait.ge [sflag:s15], $0x1000  }
0x2c: {  	[sflag:s15] =	ssyncset.done $0x0  }
0x2d: {  	s29 =	sadd.s32 s12, s31;
	[sflag:s15] =	ssyncadd.s32 $0xFFFFF000  }
0x2e: {  	[tilespmem:s21], [sflag:$0x2] =	stream.linear.gather [hbm4b:s29+s1], $0x1000, $0x38;
	[tilespmem:$0x14000] =	vst v63  }
0x2f: {  	_ =	swait.ge [sflag:s15], $0x1000  }
0x30: {  	[sflag:s15] =	ssyncset.done $0x0  }
0x31: {  	s1 =	simm.s32 $0x0;
	[sflag:s15] =	ssyncadd.s32 $0xFFFFF000  }
0x32: {  	v0 =	vld [tilespmem:s1+$0x1000]  }
0x33: {  	v5 =	vld [tilespmem:s1+$0x4000]  }
0x34: {  	v1 =	vld [tilespmem:s1+$0x0]  }
0x35: {  	v6 =	vld [tilespmem:s1+$0x2000]  }
0x36: {  	v8 =	vld [tilespmem:s1+$0x3000]  }
0x37: {  	s0 =	simm.s32 $0x10;
	v9 =	vshll.u32 v0, $0x6  }
0x38: {  	v3 =	vld [tilespmem:s0+$0x1000];
	v2 =	vadd.s32 v9, v5  }
0x39: {  	v0 =	vld [tilespmem:s0+$0x4000];
	v7 =	vshll.u32 v1, $0x6;
	[tilespmem:s1+$0xC000] =	vst v2  }
0x3a: {  	v1 =	vadd.s32 v7, v6;
	v4 =	vld [tilespmem:s0+$0x0]  }
0x3b: {  	v10 =	vadd.s32 v7, v8;
	v2 =	vld [tilespmem:s0+$0x2000];
	[tilespmem:s1+$0x7000] =	vst v1  }
0x3c: {  	s2 =	simm.s32 $0x80;
	v7 =	vadd.s32 v7, v5;
	v6 =	vadd.s32 v9, v6;
	v5 =	vadd.s32 v9, v8;
	v1 =	vld [tilespmem:s0+$0x3000];
	[tilespmem:s1+$0x8000] =	vst v10  }
.LBB2_3:
0x3d: {  	s3 =	sshra.s32 s2, $0x2;
	p0 =	sne.s32 s2, $0x3FC0;
	s2 =	sadd.s32 $0x40, s2;
	v8 =	vshll.u32 v3, $0x6;
	[tilespmem:s1+$0x9000] =	vst v7  }
.Ltmp0:
0x3e: {  	v3 =	vld [tilespmem:s3+$0x1000];
	v7 =	vadd.s32 v8, v0;
	[tilespmem:s1+$0xA000] =	vst v6;
	v6 =	vmov v0;
	(pc) =	sbr.rel @p0 .LBB2_3-.Ltmp0, $4  }
0x3f: {  	v0 =	vld [tilespmem:s3+$0x4000];
	v9 =	vshll.u32 v4, $0x6;
	[tilespmem:s0+$0xC000] =	vst v7  }
0x40: {  	v4 =	vld [tilespmem:s3+$0x0];
	v10 =	vadd.s32 v9, v2;
	v7 =	vadd.s32 v9, v6;
	v6 =	vadd.s32 v8, v2;
	[tilespmem:s1+$0xB000] =	vst v5;
	s1 =	smov.u32 s0;
	s0 =	smov.u32 s3  }
0x41: {  	v2 =	vld [tilespmem:s0+$0x2000];
	[tilespmem:s1+$0x7000] =	vst v10;
	v9 =	vadd.s32 v9, v1;
	v5 =	vadd.s32 v8, v1  }
0x42: {  	v1 =	vld [tilespmem:s0+$0x3000];
	[tilespmem:s1+$0x8000] =	vst v9  }
0x43: {  	v3 =	vshll.u32 v3, $0x6;
	[tilespmem:s1+$0x9000] =	vst v7  }
0x44: {  	[tilespmem:s1+$0xA000] =	vst v6;
	v7 =	vadd.s32 v3, v0  }
0x45: {  	v4 =	vshll.u32 v4, $0x6;
	[tilespmem:s0+$0xC000] =	vst v7  }
0x46: {  	v6 =	vadd.s32 v4, v2;
	[tilespmem:s1+$0xB000] =	vst v5  }
0x47: {  	v0 =	vadd.s32 v4, v0;
	[tilespmem:s0+$0x7000] =	vst v6  }
0x48: {  	v2 =	vadd.s32 v3, v2;
	[tilespmem:s0+$0x9000] =	vst v0  }
0x49: {  	v5 =	vadd.s32 v4, v1;
	[tilespmem:s0+$0xA000] =	vst v2  }
0x4a: {  	v0 =	vadd.s32 v3, v1;
	[tilespmem:s0+$0x8000] =	vst v5  }
0x4b: {  	[tilespmem:s0+$0xB000] =	vst v0  }
0x4c: {  	[tilespmem:s23], [sflag:$0x1] =	stream.indirect.gather [hbm4b:s6+s18], $0x1, s22, s18, $0xb8;
	[tilespmem:$0x14000] =	vst v63  }
0x4d: {  	_ = 	snop  }
0x4e: {  	[tilespmem:s25], [sflag:$0x1] =	stream.indirect.gather [hbm4b:s7+s18], $0x1, s24, s18, $0xb8;
	[tilespmem:$0x14000] =	vst v63  }
0x4f: {  	_ =	swait.ge [sflag:s26], $0x3000  }
0x50: {  	[sflag:s26] =	ssyncset.done $0x0  }
0x51: {  	[sflag:s26] =	ssyncadd.s32 $0xFFFFD000  }
0x52: {  	_ =	swait.ge [sflag:s26], $0x3000  }
0x53: {  	[sflag:s26] =	ssyncset.done $0x0  }
0x54: {  	s1 =	simm.s32 $0x0;
	[sflag:s26] =	ssyncadd.s32 $0xFFFFD000  }
0x55: {  	v8 =	vld [tilespmem:s1+$0xD000];
	_ =	sdelay $0x4  }
0x56: {  	v0 =	vmax.f32 v8, $-7.000000000e+02  }
0x57: {  	v0 =	vmin.f32 v0, $7.000000000e+02  }
0x58: {  	v0 =	vmul.f32 $1.442695020e+00, v0;
	_ =	sdelay $0x1  }
0x59: {  	(erf) = vpow2.f32 v0  }
0x5a: {  	v10 =	vld [tilespmem:s1+$0xE000]  }
0x5b: {  	s29 =	simm.s32 $0x10  }
0x5c: {  	v3 =	vld [tilespmem:s29+$0xD000];
	_ =	sdelay $0x2  }
0x5d: {  	v0 =	vmax.f32 v10, $-7.000000000e+02  }
0x5e: {  	v0 =	vmin.f32 v0, $7.000000000e+02  }
0x5f: {  	v1 =	vmax.f32 v3, $-7.000000000e+02;
	v0 =	vmul.f32 $1.442695020e+00, v0  }
0x60: {  	v1 =	vmin.f32 v1, $7.000000000e+02;
	v2 =	vpop (erf)  }
0x61: {  	v1 =	vmul.f32 $1.442695020e+00, v1;
	(erf) = vpow2.f32 v0;
	v2 =	vmax.f32 v2, $9.999999970e-07  }
0x62: {  	(erf) = vrcp.f32 v2  }
0x63: {  	(erf) = vpow2.f32 v1  }
0x64: {  	v5 =	vld [tilespmem:s29+$0xE000]  }
0x65: {  	s0 =	simm.s32 $0x20  }
0x66: {  	v1 =	vld [tilespmem:s0+$0xD000];
	_ =	sdelay $0x1  }
0x67: {  	v4 =	vld [tilespmem:s1+$0x5000]  }
0x68: {  	v6 =	vld [tilespmem:s1+$0x11000];
	v2 =	vmax.f32 v5, $-7.000000000e+02  }
0x69: {  	v0 =	vld [tilespmem:s1+$0x10000];
	v2 =	vmin.f32 v2, $7.000000000e+02;
	v7 =	vpop (erf)  }
0x6a: {  	v2 =	vmul.f32 $1.442695020e+00, v2;
	v7 =	vmax.f32 v7, $9.999999970e-07;
	v9 =	vmax.f32 v1, $-7.000000000e+02;
	v11 =	vpop (erf)  }
0x6b: {  	v9 =	vmin.f32 v9, $7.000000000e+02;
	v12 =	vpop (erf);
	v7 =	vmul.f32 v11, v7  }
0x6c: {  	v9 =	vmul.f32 $1.442695020e+00, v9;
	(erf) = vpow2.f32 v2;
	v11 =	vmax.f32 v12, $9.999999970e-07  }
0x6d: {  	(erf) = vrcp.f32 v11;
	vm0 =	vge.f32 v4, v7  }
0x6e: {  	(erf) = vpow2.f32 v9;
	v11 =	vsel vm0, v0, v6  }
0x6f: {  	v6 =	vld [tilespmem:s0+$0xE000];
	v0 =	vmax.f32 v11, $-7.000000000e+02  }
0x70: {  	s8 =	simm.s32 $0x30;
	v2 =	vmin.f32 v0, $7.000000000e+02  }
0x71: {  	v0 =	vld [tilespmem:s8+$0xD000];
	v2 =	vmul.f32 $1.442695020e+00, v2  }
0x72: {  	v14 =	vld [tilespmem:s1+$0x12000]  }
0x73: {  	v4 =	vld [tilespmem:s29+$0x10000];
	(erf) = vpow2.f32 v2  }
0x74: {  	v7 =	vld [tilespmem:s29+$0x5000];
	v2 =	vmax.f32 v6, $-7.000000000e+02  }
0x75: {  	v9 =	vld [tilespmem:s29+$0x11000];
	v2 =	vmin.f32 v2, $7.000000000e+02;
	v12 =	vpop (erf)  }
0x76: {  	v13 =	vmax.f32 v0, $-7.000000000e+02;
	v2 =	vmul.f32 $1.442695020e+00, v2;
	v12 =	vmax.f32 v12, $9.999999970e-07;
	v15 =	vpop (erf)  }
0x77: {  	v13 =	vmin.f32 v13, $7.000000000e+02;
	v16 =	vpop (erf);
	v12 =	vmul.f32 v15, v12  }
0x78: {  	v13 =	vmul.f32 $1.442695020e+00, v13;
	(erf) = vpow2.f32 v2;
	v15 =	vmax.f32 v16, $9.999999970e-07  }
0x79: {  	v2 =	vmax.f32 v14, $-7.000000000e+02;
	(erf) = vrcp.f32 v15;
	vm1 =	vge.f32 v7, v12  }
0x7a: {  	v9 =	vsel vm1, v4, v9;
	v4 =	vmin.f32 v2, $7.000000000e+02  }
0x7b: {  	(erf) = vpow2.f32 v13;
	v2 =	vld [tilespmem:s8+$0xE000];
	v7 =	vmax.f32 v9, $-7.000000000e+02;
	v12 =	vmul.f32 $1.442695020e+00, v4  }
0x7c: {  	s14 =	simm.s32 $0x40;
	v7 =	vmin.f32 v7, $7.000000000e+02;
	v13 =	vpop (erf)  }
0x7d: {  	v4 =	vld [tilespmem:s14+$0xD000];
	v7 =	vmul.f32 $1.442695020e+00, v7;
	v13 =	vmax.f32 v13, $9.999999970e-07;
	(erf) = vpow2.f32 v12  }
0x7e: {  	v17 =	vld [tilespmem:s0+$0x11000];
	(erf) = vrcp.f32 v13  }
0x7f: {  	v15 =	vld [tilespmem:s29+$0x12000];
	(erf) = vpow2.f32 v7  }
0x80: {  	vm0 =	vmmov vm0;
	v13 =	vld [tilespmem:s0+$0x5000];
	v7 =	vmax.f32 v2, $-7.000000000e+02  }
0x81: {  	vm2 =	vmmov vm0;
	v12 =	vld [tilespmem:s0+$0x10000];
	v7 =	vmin.f32 v7, $7.000000000e+02;
	v16 =	vpop (erf)  }
0x82: {  	v18 =	vmax.f32 v4, $-7.000000000e+02;
	v7 =	vmul.f32 $1.442695020e+00, v7;
	v16 =	vmax.f32 v16, $9.999999970e-07;
	v19 =	vpop (erf)  }
0x83: {  	vm3 =	vmmov vm2;
	v18 =	vmin.f32 v18, $7.000000000e+02;
	v16 =	vmul.f32 v19, v16  }
0x84: {  	vm0 =	vmmov vm1;
	v18 =	vmul.f32 $1.442695020e+00, v18;
	v20 =	vpop (erf);
	(erf) = vpow2.f32 v7  }
0x85: {  	v7 =	vmax.f32 v15, $-7.000000000e+02;
	v19 =	vmax.f32 v20, $9.999999970e-07;
	vm1 =	vge.f32 v13, v16  }
0x86: {  	v7 =	vmin.f32 v7, $7.000000000e+02;
	(erf) = vrcp.f32 v19;
	v16 =	vld [tilespmem:s1+$0x6000];
	v13 =	vsel vm1, v12, v17;
	v12 =	vpop (erf)  }
0x87: {  	(erf) = vpow2.f32 v18;
	v17 =	vld [tilespmem:s1+$0xF000];
	v19 =	vmax.f32 v13, $-7.000000000e+02;
	v12 =	vmax.f32 v12, $9.999999970e-07;
	v22 =	vpop (erf)  }
0x88: {  	s2 =	simm.s32 $0x50;
	s3 =	simm.s32 $0x180;
	v18 =	vmul.f32 $1.442695020e+00, v7;
	v7 =	vld [tilespmem:s14+$0xE000];
	v20 =	vmin.f32 v19, $7.000000000e+02;
	v21 =	vpop (erf);
	v19 =	vmul.f32 v22, v12  }
.LBB2_5:
0x89: {  	v20 =	vmul.f32 $1.442695020e+00, v20;
	v21 =	vmax.f32 v21, $9.999999970e-07  }
0x8a: {  	p0 =	sne.s32 s3, $0x3FC0;
	v12 =	vld [tilespmem:s2+$0xD000];
	(erf) = vpow2.f32 v18;
	vm2 =	vmmov vm0;
	vm0 =	vmmov vm1  }
0x8b: {  	v10 =	vsel vm3, v8, v10;
	v8 =	vmovc v3;
	v3 =	vmovc v1;
	v18 =	vld [tilespmem:s0+$0x12000];
	(erf) = vrcp.f32 v21;
	vm1 =	vge.f32 v16, v19  }
0x8c: {  	v1 =	vmovc v0;
	v0 =	vmovc v4;
	v19 =	vld [tilespmem:s8+$0x10000];
	(erf) = vpow2.f32 v20;
	v21 =	vsel vm1, v10, v17;
	v20 =	vsel vm1, v11, v14  }
0x8d: {  	v14 =	vmovc v15;
	v11 =	vmovc v9;
	v9 =	vmov v13;
	v4 =	vmax.f32 v7, $-7.000000000e+02;
	v16 =	vld [tilespmem:s8+$0x5000];
	v21 =	vadd.f32 v21, v20  }
0x8e: {  	v10 =	vmov v5;
	v5 =	vmov v6;
	v24 =	vmin.f32 v4, $7.000000000e+02;
	v13 =	vld [tilespmem:s8+$0x11000];
	v15 =	vpop (erf)  }
0x8f: {  	v25 =	vmax.f32 v12, $-7.000000000e+02;
	v20 =	vmul.f32 $1.442695020e+00, v24;
	v22 =	vmax.f32 v15, $9.999999970e-07;
	v15 =	vpop (erf);
	[tilespmem:s1+$0x13000] =	vst v21;
	s1 =	smov.u32 s29;
	s29 =	smov.u32 s0;
	s0 =	smov.u32 s8  }
0x90: {  	s8 =	smov.u32 s14;
	s14 =	smov.u32 s2;
	v23 =	vmin.f32 v25, $7.000000000e+02;
	v17 =	vpop (erf);
	v21 =	vmul.f32 v15, v22;
	v4 =	vmov v12  }
.Ltmp1:
0x91: {  	v6 =	vmovc v2;
	v15 =	vmovc v18;
	v12 =	vmul.f32 $1.442695020e+00, v23;
	v17 =	vmax.f32 v17, $9.999999970e-07;
	(erf) = vpow2.f32 v20;
	(pc) =	sbr.rel @p0 .LBB2_5-.Ltmp1, $4  }
0x92: {  	v2 =	vmovc v7;
	(erf) = vrcp.f32 v17;
	vm1 =	vge.f32 v16, v21;
	v17 =	vmax.f32 v15, $-7.000000000e+02;
	v16 =	vld [tilespmem:s1+$0x6000]  }
0x93: {  	(erf) = vpow2.f32 v12;
	v13 =	vsel vm1, v19, v13;
	v12 =	vmin.f32 v17, $7.000000000e+02;
	v17 =	vld [tilespmem:s1+$0xF000];
	v19 =	vpop (erf)  }
0x94: {  	v7 =	vld [tilespmem:s14+$0xE000];
	v20 =	vmax.f32 v13, $-7.000000000e+02;
	v18 =	vmul.f32 $1.442695020e+00, v12;
	v12 =	vmax.f32 v19, $9.999999970e-07;
	v19 =	vpop (erf)  }
0x95: {  	vm3 =	vmmov vm2;
	s2 =	sshra.s32 s3, $0x2;
	s3 =	sadd.s32 $0x40, s3;
	v20 =	vmin.f32 v20, $7.000000000e+02;
	v21 =	vpop (erf);
	v19 =	vmul.f32 v19, v12  }
0x96: {  	v12 =	vld [tilespmem:s2+$0xD000];
	v20 =	vmul.f32 $1.442695020e+00, v20;
	v21 =	vmax.f32 v21, $9.999999970e-07;
	(erf) = vpow2.f32 v18  }
0x97: {  	v18 =	vld [tilespmem:s0+$0x12000];
	(erf) = vrcp.f32 v21  }
0x98: {  	v33 =	vld [tilespmem:s8+$0x10000];
	(erf) = vpow2.f32 v20  }
0x99: {  	v8 =	vsel vm3, v8, v10;
	v35 =	vld [tilespmem:s8+$0x5000];
	vm2 =	vge.f32 v16, v19;
	v34 =	vmax.f32 v7, $-7.000000000e+02  }
0x9a: {  	v36 =	vld [tilespmem:s8+$0x11000];
	v8 =	vsel vm2, v8, v17;
	v11 =	vsel vm2, v11, v14;
	v10 =	vmin.f32 v34, $7.000000000e+02;
	v37 =	vpop (erf)  }
0x9b: {  	v38 =	vmax.f32 v12, $-7.000000000e+02;
	v10 =	vmul.f32 $1.442695020e+00, v10;
	v17 =	vmax.f32 v37, $9.999999970e-07;
	v39 =	vpop (erf)  }
0x9c: {  	v8 =	vadd.f32 v8, v11;
	v40 =	vmin.f32 v38, $7.000000000e+02;
	v41 =	vpop (erf);
	v17 =	vmul.f32 v39, v17  }
0x9d: {  	v11 =	vmul.f32 $1.442695020e+00, v40;
	v19 =	vmax.f32 v41, $9.999999970e-07;
	(erf) = vpow2.f32 v10  }
0x9e: {  	v42 =	vmax.f32 v18, $-7.000000000e+02;
	(erf) = vrcp.f32 v19;
	vm7 =	vge.f32 v35, v17  }
0x9f: {  	[tilespmem:s1+$0x13000] =	vst v8;
	v10 =	vmin.f32 v42, $7.000000000e+02;
	(erf) = vpow2.f32 v11;
	v11 =	vsel vm7, v33, v36;
	v43 =	vpop (erf)  }
0xa0: {  	v8 =	vld [tilespmem:s2+$0xE000];
	v10 =	vmul.f32 $1.442695020e+00, v10;
	v44 =	vmax.f32 v11, $-7.000000000e+02;
	v45 =	vpop (erf)  }
0xa1: {  	v46 =	vld [tilespmem:s29+$0x6000];
	v16 =	vmin.f32 v44, $7.000000000e+02;
	v47 =	vpop (erf)  }
0xa2: {  	v48 =	vld [tilespmem:s29+$0xF000];
	(erf) = vpow2.f32 v10;
	v16 =	vmul.f32 $1.442695020e+00, v16;
	v20 =	vmax.f32 v47, $9.999999970e-07  }
0xa3: {  	v50 =	vld [tilespmem:s8+$0x12000];
	(erf) = vrcp.f32 v20  }
0xa4: {  	vm0 =	vmmov vm0;
	v51 =	vld [tilespmem:s14+$0x10000];
	v49 =	vmax.f32 v43, $9.999999970e-07;
	(erf) = vpow2.f32 v16  }
0xa5: {  	vm0 =	vmmov vm0;
	v53 =	vld [tilespmem:s14+$0x5000];
	v10 =	vmul.f32 v45, v49;
	v52 =	vmax.f32 v8, $-7.000000000e+02  }
0xa6: {  	v3 =	vsel vm0, v3, v5;
	v55 =	vld [tilespmem:s14+$0x11000];
	v54 =	vmin.f32 v52, $7.000000000e+02;
	v56 =	vpop (erf)  }
0xa7: {  	vm8 =	vge.f32 v46, v10;
	v57 =	vmul.f32 $1.442695020e+00, v54;
	v58 =	vmax.f32 v56, $9.999999970e-07;
	v59 =	vpop (erf)  }
0xa8: {  	v62 =	vmax.f32 v50, $-7.000000000e+02;
	v3 =	vsel vm8, v3, v48;
	v60 =	vpop (erf);
	v10 =	vmul.f32 v59, v58  }
0xa9: {  	v9 =	vsel vm8, v9, v15;
	(erf) = vpow2.f32 v57;
	v61 =	vmax.f32 v60, $9.999999970e-07  }
0xaa: {  	v3 =	vadd.f32 v3, v9;
	(erf) = vrcp.f32 v61;
	vm9 =	vge.f32 v53, v10  }
0xab: {  	v5 =	vmin.f32 v62, $7.000000000e+02;
	v23 =	vpop (erf);
	v63 =	vsel vm9, v51, v55  }
0xac: {  	v5 =	vmul.f32 $1.442695020e+00, v5;
	[tilespmem:s29+$0x13000] =	vst v3;
	v24 =	vmax.f32 v63, $-7.000000000e+02;
	v25 =	vpop (erf)  }
0xad: {  	v26 =	vld [tilespmem:s0+$0x6000];
	v3 =	vmin.f32 v24, $7.000000000e+02;
	v27 =	vpop (erf)  }
0xae: {  	v28 =	vld [tilespmem:s0+$0xF000];
	(erf) = vpow2.f32 v5;
	v3 =	vmul.f32 $1.442695020e+00, v3;
	v17 =	vmax.f32 v27, $9.999999970e-07  }
0xaf: {  	v29 =	vld [tilespmem:s14+$0x12000];
	(erf) = vrcp.f32 v17  }
0xb0: {  	v30 =	vld [tilespmem:s2+$0x10000];
	(erf) = vpow2.f32 v3  }
0xb1: {  	v32 =	vld [tilespmem:s2+$0x5000]  }
0xb2: {  	vm1 =	vmmov vm1;
	v33 =	vld [tilespmem:s2+$0x11000];
	v31 =	vmax.f32 v23, $9.999999970e-07;
	v34 =	vpop (erf)  }
0xb3: {  	vm1 =	vmmov vm1;
	v3 =	vmul.f32 v25, v31;
	v20 =	vmax.f32 v34, $9.999999970e-07;
	v35 =	vpop (erf)  }
0xb4: {  	vm1 =	vmmov vm1;
	v36 =	vmul.f32 v35, v20  }
0xb5: {  	v1 =	vsel vm1, v1, v6;
	v38 =	vmax.f32 v29, $-7.000000000e+02;
	vm10 =	vge.f32 v26, v3  }
0xb6: {  	v1 =	vsel vm10, v1, v28;
	v37 =	vsel vm10, v13, v18;
	vm11 =	vge.f32 v32, v36  }
0xb7: {  	v3 =	vmin.f32 v38, $7.000000000e+02;
	v1 =	vadd.f32 v1, v37;
	v40 =	vpop (erf);
	v39 =	vsel vm11, v30, v33  }
0xb8: {  	v3 =	vmul.f32 $1.442695020e+00, v3;
	v41 =	vmax.f32 v39, $-7.000000000e+02;
	v42 =	vpop (erf)  }
0xb9: {  	[tilespmem:s0+$0x13000] =	vst v1;
	v43 =	vmin.f32 v41, $7.000000000e+02;
	v44 =	vpop (erf)  }
0xba: {  	(erf) = vpow2.f32 v3;
	v45 =	vld [tilespmem:s8+$0x6000];
	v1 =	vmul.f32 $1.442695020e+00, v43;
	v13 =	vmax.f32 v44, $9.999999970e-07  }
0xbb: {  	v46 =	vld [tilespmem:s8+$0xF000];
	(erf) = vrcp.f32 v13  }
0xbc: {  	vm2 =	vmmov vm7;
	v10 =	vmax.f32 v40, $9.999999970e-07;
	(erf) = vpow2.f32 v1  }
0xbd: {  	vm2 =	vmmov vm2;
	v48 =	vld [tilespmem:s2+$0x12000];
	v47 =	vmul.f32 v42, v10  }
0xbe: {  	vm2 =	vmmov vm2  }
0xbf: {  	v0 =	vsel vm2, v0, v2;
	vm12 =	vge.f32 v45, v47  }
0xc0: {  	v0 =	vsel vm12, v0, v46;
	v1 =	vsel vm12, v11, v50  }
0xc1: {  	v0 =	vadd.f32 v0, v1  }
0xc2: {  	v49 =	vmax.f32 v48, $-7.000000000e+02  }
0xc3: {  	v50 =	vmin.f32 v49, $7.000000000e+02;
	v51 =	vpop (erf);
	[tilespmem:s8+$0x13000] =	vst v0  }
0xc4: {  	v0 =	vmul.f32 $1.442695020e+00, v50;
	v52 =	vld [tilespmem:s14+$0x6000];
	v53 =	vpop (erf)  }
0xc5: {  	vm0 =	vmmov vm9;
	v54 =	vld [tilespmem:s14+$0xF000];
	v55 =	vpop (erf)  }
0xc6: {  	v1 =	vmax.f32 v51, $9.999999970e-07;
	(erf) = vpow2.f32 v0;
	v13 =	vmax.f32 v55, $9.999999970e-07  }
0xc7: {  	vm0 =	vmmov vm0;
	v56 =	vmul.f32 v53, v1;
	(erf) = vrcp.f32 v13  }
0xc8: {  	vm0 =	vmmov vm0  }
0xc9: {  	v57 =	vsel vm0, v4, v7;
	vm13 =	vge.f32 v52, v56  }
0xca: {  	v0 =	vsel vm13, v57, v54;
	v58 =	vsel vm13, v63, v29  }
0xcb: {  	v0 =	vadd.f32 v0, v58;
	_ =	sdelay $0x1  }
0xcc: {  	[tilespmem:s14+$0x13000] =	vst v0  }
0xcd: {  	v0 =	vld [tilespmem:s2+$0x6000]  }
0xce: {  	v60 =	vpop (erf);
	v59 =	vld [tilespmem:s2+$0xF000]  }
0xcf: {  	vm14 =	vmmov vm11;
	v2 =	vmax.f32 v60, $9.999999970e-07;
	v61 =	vpop (erf)  }
0xd0: {  	vm0 =	vmmov vm14;
	v2 =	vmul.f32 v61, v2  }
0xd1: {  	vm0 =	vmmov vm0  }
0xd2: {  	v62 =	vsel vm0, v12, v8;
	vm15 =	vge.f32 v0, v2  }
0xd3: {  	v0 =	vsel vm15, v62, v59;
	v63 =	vsel vm15, v39, v48  }
0xd4: {  	s30 =	sadd.s32 $0x1, s30;
	v0 =	vadd.f32 v0, v63  }
0xd5: {  	p0 =	sne.s32 s30, $0x4  }
.Ltmp2:
0xd6: {  	s31 =	sadd.s32 s4, s31;
	[tilespmem:s2+$0x13000] =	vst v0;
	(pc) =	sbr.rel @p0 .LBB2_2-.Ltmp2, $4  }
0xd7: {  	[hbm4b:s31+s5] =	stream.linear.scatter [tilespmem:s28], [sflag:$0x2], $0x1000, $0x38;
	[tilespmem:$0x14000] =	vst v63  }
0xd8: {  	_ =	swait.ge [sflag:s15], $0x1000  }
0xd9: {  	[sflag:s15] =	ssyncset.done $0x0  }
0xda: {  	[sflag:s15] =	ssyncadd.s32 $0xFFFFF000  }
0xdb: {  	s1 =	rddreg [dreg:$0x7]  }
0xdc: {  	s0 =	rddreg [dreg:$0x6];
	s1 =	sadd.s32 $0x1, s1  }
0xdd: {  	p0 =	sne.s32 s1, s0  }
.Ltmp3:
0xde: {  	_ = 	snop;
	(pc) =	sbr.rel @p0 .LBB2_1-.Ltmp3, $1  }
0xdf: {  	_ =	sdelay $0x3  }
0xe0: {  	_ =	sfence.sel $0x180000  }
0xe1: {  	[bflag:$0x0] =	sbarrier.arrive $0xFFFF  }
0xe2: {  	_ =	strace $0x9000004A  }
0xe3: {  	s0 =	stileid.u32;
	[bflag:$0x2] =	sbarrier.arrive $0xFFFF  }
0xe4: {  	p0 =	sne.s32 s0, $0x0;
	s0 =	rddreg [dreg:$0x5]  }
0xe5: {  	s0 =	sadd.s32 @!p0 $0x100000, s0  }
0xe6: {  	[sflag:s0] =	ssyncadd.tile.s32 @!p0 $0x1;
	_ =	shalt  }
.Lfunc_end2:
_tile_overlayer_lowered:
.L_overlay_start_2:
0xe7: {  	(tag) =	ssettag $0x2  }
0xe8: {  	s0 =	rddreg [dreg:$0x0];
	s2 =	stileid.u32  }
0xe9: {  	s1 =	rddreg [dreg:$0x1];
	p0 =	sne.s32 s2, $0x0  }
0xea: {  	s3 =	rddreg [dreg:$0x2];
	[bflag:$0x3] =	sbarrier.arrive $0xFFFF;
	s2 =	simm.s32 @!p0 $0x1C02  }
0xeb: {  	[timem:s3], [sflag:s2] =	dma.local @!p0 [hbm:s0], s1  }
0xec: {  	s0 =	simm.s32 @!p0 $0x2  }
0xed: {  	_ =	swait.ge @!p0 [sflag:s0], s1  }
0xee: {  	s1 =	ssub.s32 @!p0 $0x0, s1;
	[sflag:s0] =	ssyncset.done @!p0 $0x0  }
0xef: {  	[sflag:s0] =	ssyncadd.s32 @!p0 s1  }
0xf0: {  	[bflag:$0x3] =	sbarrier.arrive $0xFFFF  }
0xf1: {  	_ =	shalt  }

// kernel: kernel.7.cloned.1.call-start
scs
__scs_entry_jumppad:
0x0: {  	(pc) =	sbr.rel $0x88, $3  }
0x1: {  	(tag) =	ssettag $0x0;
	lr =	simm.s32 $0x1  }
0x2: {  	[smem:$0x3F9B] =	sst lr;
	_ =	strace $0xD0000000  }
0x3: {  	_ = 	snop  }
0x4: {  	_ = 	snop  }
0x5: {  	_ = 	snop  }
0x6: {  	_ = 	snop  }
0x7: {  	_ = 	snop  }
__scs_overlays_trampoline_lowered:
0x8: {  	[smem:$0x3FAA] =	sst s0  }
0x9: {  	[smem:$0x3FAB] =	sst s1  }
0xa: {  	[smem:$0x3FAC] =	sst s2  }
0xb: {  	[smem:$0x3FAD] =	sst s3  }
0xc: {  	[smem:$0x3FAE] =	sst s4  }
0xd: {  	[smem:$0x3FAF] =	sst s5  }
0xe: {  	[smem:$0x3FB0] =	sst s6  }
0xf: {  	[smem:$0x3FB1] =	sst s7  }
0x10: {  	[smem:$0x3FB2] =	sst s8  }
0x11: {  	[smem:$0x3FB3] =	sst s9;
	s0 =	simm.s32 @!p0 $0x0  }
0x12: {  	s1 =	sld [smem:$0x3F99];
	s0 =	simm.s32 @p0 $0x1  }
0x13: {  	[smem:$0x3FB4] =	sst s0;
	s0 =	simm.s32 @!p1 $0x0  }
0x14: {  	s2 =	sld [smem:$0x3F98];
	s0 =	simm.s32 @p1 $0x1  }
0x15: {  	[smem:$0x3FB5] =	sst s0;
	s0 =	simm.s32 @!p2 $0x0  }
0x16: {  	s3 =	sld [smem:$0x3FDB];
	s0 =	simm.s32 @p2 $0x1  }
0x17: {  	s4 =	simm.s32 $0x1BF5;
	[smem:$0x3FB7] =	sst s0  }
0x18: {  	s0 =	sld [smem:$0x3F9A];
	_ =	swait.ge [sflag:s4], $0x0  }
0x19: {  	s7 =	sld [smem:$0x3F9B]  }
0x1a: {  	s8 =	sadd.s32 $0xFFFFE003, lr  }
0x1b: {  	s9 =	sadd.s32 $0xFFFFFEF7, lr;
	s5 =	simm.s32 $0xFFFFFFFF;
	p2 =	slt.u32 s8, $0xFFFFF086  }
0x1c: {  	p1 =	slt.u32 s9, $0xF7A;
	s5 =	simm.s32 @!p2 $0x0  }
0x1d: {  	s5 =	simm.s32 @p1 $0x1;
	p0 =	seq.s32 s7, s2  }
0x1e: {  	s7 =	smul.u32 @!p0 $0xF7A, s2;
	p2 =	seq.s32 @!p0 s5, $0x0  }
0x1f: {  	s9 =	smul.u32 $0xF7A, s1;
	s8 =	simm.s32 @!p0 $0x1BF5;
	p2 =	por !p2, p0  }
0x20: {  	[sflag:s8] =	ssyncset.s32 @!p0 $0xFFFFF086;
	s6 =	sadd.s32 @!p0 s3, s7;
	s7 =	simm.s32 @!p0 $0x108  }
0x21: {  	s3 =	sadd.s32 s3, s9;
	s6 =	sadd.s32 @!p0 $0x88, s6;
	s7 =	simm.s32 @p2 $0x1082  }
0x22: {  	[simem:s7], [sflag:s8] =	dma.local @!p0 [hbm:s6], $0xF7A  }
0x23: {  	s9 =	sor.u32 $0xD0000000, s2;
	s6 =	simm.s32 $0x108;
	_ =	swait.ge @!p0 [sflag:s8], $0x0  }
0x24: {  	s3 =	sadd.s32 $0x88, s3;
	s6 =	simm.s32 @!p1 $0x1082;
	[sflag:s4] =	ssyncset.s32 $0xFFFFF086  }
0x25: {  	[simem:s6], [sflag:s4] =	dma.local [hbm:s3], $0xF7A  }
0x26: {  	[smem:$0x3F9B] =	sst s1;
	(tag) =	ssettag s2;
	_ =	strace s9  }
0x27: {  	s1 =	sld [smem:$0x3FAB]  }
0x28: {  	s2 =	sld [smem:$0x3FAC]  }
0x29: {  	s4 =	sld [smem:$0x3FAE]  }
0x2a: {  	p0 =	seq.s32 s5, $0x0;
	s5 =	sld [smem:$0x3FAF]  }
0x2b: {  	s6 =	sld [smem:$0x3FB0]  }
0x2c: {  	s7 =	sld [smem:$0x3FB1]  }
0x2d: {  	s3 =	simm.s32 $0x108;
	s8 =	sld [smem:$0x3FB2]  }
0x2e: {  	s3 =	simm.s32 @!p0 $0x1082;
	s9 =	sld [smem:$0x3FB3]  }
0x2f: {  	lr =	sadd.s32 s0, s3;
	s0 =	sld [smem:$0x3FAA]  }
0x30: {  	s3 =	sld [smem:$0x3FAD]  }
0x31: {  	[smem:$0x3FB6] =	sst s10  }
0x32: {  	s10 =	sld [smem:$0x3FB4];
	_ =	sdelay $0x3  }
0x33: {  	p0 =	seq.s32 s10, $0x1;
	s10 =	sld [smem:$0x3FB6];
	_ =	sdelay $0x3  }
0x34: {  	[smem:$0x3FB6] =	sst s10  }
0x35: {  	s10 =	sld [smem:$0x3FB5];
	_ =	sdelay $0x3  }
0x36: {  	p1 =	seq.s32 s10, $0x1;
	s10 =	sld [smem:$0x3FB6];
	_ =	sdelay $0x3  }
0x37: {  	[smem:$0x3FB6] =	sst s10  }
0x38: {  	s10 =	sld [smem:$0x3FB7]  }
0x39: {  	_ = 	snop;
	(pc) =	sbr.ind lr, $3  }
0x3a: {  	_ = 	snop  }
0x3b: {  	_ = 	snop  }
0x3c: {  	p2 =	seq.s32 s10, $0x1;
	s10 =	sld [smem:$0x3FB6]  }
0x3d: {  	_ =	shalt  }
0x3e: {  	_ =	shalt  }
0x3f: {  	_ =	shalt  }
0x40: {  	_ =	shalt  }
0x41: {  	_ =	shalt  }
0x42: {  	_ =	shalt  }
0x43: {  	_ =	shalt  }
0x44: {  	_ =	shalt  }
0x45: {  	_ =	shalt  }
0x46: {  	_ =	shalt  }
0x47: {  	_ =	shalt  }
0x48: {  	_ =	shalt  }
0x49: {  	_ =	shalt  }
0x4a: {  	_ =	shalt  }
0x4b: {  	_ =	shalt  }
0x4c: {  	_ =	shalt  }
0x4d: {  	_ =	shalt  }
0x4e: {  	_ =	shalt  }
0x4f: {  	_ =	shalt  }
0x50: {  	_ =	shalt  }
0x51: {  	_ =	shalt  }
0x52: {  	_ =	shalt  }
0x53: {  	_ =	shalt  }
0x54: {  	_ =	shalt  }
0x55: {  	_ =	shalt  }
0x56: {  	_ =	shalt  }
0x57: {  	_ =	shalt  }
0x58: {  	_ =	shalt  }
0x59: {  	_ =	shalt  }
0x5a: {  	_ =	shalt  }
0x5b: {  	_ =	shalt  }
0x5c: {  	_ =	shalt  }
0x5d: {  	_ =	shalt  }
0x5e: {  	_ =	shalt  }
0x5f: {  	_ =	shalt  }
0x60: {  	_ =	shalt  }
0x61: {  	_ =	shalt  }
0x62: {  	_ =	shalt  }
0x63: {  	_ =	shalt  }
0x64: {  	_ =	shalt  }
0x65: {  	_ =	shalt  }
0x66: {  	_ =	shalt  }
0x67: {  	_ =	shalt  }
0x68: {  	_ =	shalt  }
0x69: {  	_ =	shalt  }
0x6a: {  	_ =	shalt  }
0x6b: {  	_ =	shalt  }
0x6c: {  	_ =	shalt  }
0x6d: {  	_ =	shalt  }
0x6e: {  	_ =	shalt  }
0x6f: {  	_ =	shalt  }
0x70: {  	_ =	shalt  }
0x71: {  	_ =	shalt  }
0x72: {  	_ =	shalt  }
0x73: {  	_ =	shalt  }
0x74: {  	_ =	shalt  }
0x75: {  	_ =	shalt  }
0x76: {  	_ =	shalt  }
0x77: {  	_ =	shalt  }
0x78: {  	_ =	shalt  }
0x79: {  	_ =	shalt  }
0x7a: {  	_ =	shalt  }
0x7b: {  	_ =	shalt  }
0x7c: {  	_ =	shalt  }
0x7d: {  	_ =	shalt  }
0x7e: {  	_ =	shalt  }
0x7f: {  	_ =	shalt  }
0x80: {  	_ =	shalt  }
0x81: {  	_ =	shalt  }
0x82: {  	_ =	shalt  }
0x83: {  	_ =	shalt  }
0x84: {  	_ =	shalt  }
0x85: {  	_ =	shalt  }
0x86: {  	_ =	shalt  }
0x87: {  	_ =	shalt  }
.Lfunc_end0:
.L_simem_size_0:
called_computation_lowered:
.L_overlay_start_0:
0x88: {  	s2 =	sld [smem:$0x3FD9]  }
0x89: {  	s3 =	sld [smem:$0x3FFE];
	_ =	sdelay $0x1  }
0x8a: {  	s1 =	srdreg.scid  }
0x8b: {  	s0 =	sand.u32 $0x1, s1  }
0x8c: {  	s18 =	sshll.u32 s0, $0xA;
	s2 =	sadd.s32 s3, s2  }
0x8d: {  	s2 =	sadd.s32 s2, s18  }
0x8e: {  	[smem:$0x3FC2] =	sst s2  }
0x8f: {  	_ = 	snop  }
0x90: {  	s2 =	sld [smem:$0x3FC5]  }
0x91: {  	s19 =	sld [smem:$0x3FC4]  }
0x92: {  	s4 =	sld [smem:$0x3FD0];
	(tm) =	ssettm $0x1  }
0x93: {  	s5 =	sld [smem:$0x3FFB];
	_ =	sdelay $0x3  }
0x94: {  	_ =	strace s5  }
0x95: {  	s5 =	sld [smem:$0x3FFC];
	_ =	sdelay $0x3  }
0x96: {  	_ =	strace s5  }
0x97: {  	s5 =	sld [smem:$0x3FFD];
	_ =	sdelay $0x3  }
0x98: {  	_ =	strace s5  }
0x99: {  	_ =	strace $0x8FFFFFFF  }
0x9a: {  	s20 =	sld [smem:$0x3FDB];
	_ =	sdelay $0x1  }
0x9b: {  	s6 =	simm.s32 $_scs_section_size  }
0x9c: {  	s7 =	simm.s32 $_size__tile_overlayer_lowered;
	s8 =	simm.s32 $_tile_overlayer_lowered  }
0x9d: {  	s23 =	simm.s32 $0x1BFF;
	s22 =	sshll.u32 s8, $0x1;
	s5 =	sadd.s32 s6, s20  }
0x9e: {  	s9 =	simm.s32 $0x0;
	s21 =	sshll.u32 s7, $0x1;
	s7 =	sadd.s32 s22, s5  }
0x9f: {  	[timem:s9], [sflag:s23] =	dma.local [hbm:s7], s21  }
0xa0: {  	_ =	swait.ge [sflag:s23], s21  }
0xa1: {  	s6 =	ssub.s32 $0x0, s21;
	[sflag:s23] =	ssyncset.done $0x0  }
0xa2: {  	[sflag:s23] =	ssyncadd.s32 s6;
	_ =	sdelay $0x1  }
0xa3: {  	s24 =	simm.s32 $0x1B8B  }
0xa4: {  	_ =	swait.ge [sflag:s24], $0x1  }
0xa5: {  	[sflag:s24] =	ssyncset.done $0x0  }
0xa6: {  	s25 =	simm.s32 $0x1B8E;
	[sflag:s24] =	ssyncadd.s32 $0xFFFFFFFF  }
0xa7: {  	s26 =	simm.s32 $execute0_lowered;
	[smem:$0x3FD2] =	sst s25  }
0xa8: {  	s6 =	sshll.u32 s26, $0x1;
	_ =	strace $0x80000046;
	[dreg:$0x1] =	wrdreg $0xFFFFFFFF  }
0xa9: {  	s28 =	simm.s32 $_size_execute0_lowered;
	s5 =	sadd.s32 s5, s6;
	[dreg:$0x0] =	wrdreg $0x0  }
0xaa: {  	s6 =	sshll.u32 s28, $0x1;
	[dreg:$0x2] =	wrdreg s5  }
0xab: {  	[dreg:$0x3] =	wrdreg s6  }
0xac: {  	[dreg:$0x4] =	wrdreg $0xC0  }
0xad: {  	_ =	task [dreg:s9], $0x5FFFF  }
0xae: {  	[dreg:$0x1] =	wrdreg $0xFFFFFFFF  }
0xaf: {  	[dreg:$0x0] =	wrdreg $0x60  }
0xb0: {  	[dreg:$0x2] =	wrdreg s2  }
0xb1: {  	[dreg:$0x3] =	wrdreg s19  }
0xb2: {  	[dreg:$0x4] =	wrdreg s4  }
0xb3: {  	[dreg:$0x5] =	wrdreg $0x100000  }
0xb4: {  	[dreg:$0x6] =	wrdreg $0x9  }
0xb5: {  	_ =	task.clear_ibuf [dreg:s9], $0x7FFFF;
	_ =	strace $0x90000046  }
0xb6: {  	s29 =	simm.s32 $0x9;
	_ =	strace $0x80000048  }
0xb7: {  	_ =	swait.ge [sflag:s29], $0x1  }
0xb8: {  	[sflag:s29] =	ssyncadd.s32 $0xFFFFFFFF  }
0xb9: {  	_ =	strace $0x90000048  }
0xba: {  	_ =	sfence  }
0xbb: {  	s30 =	sld [smem:$0x0];
	_ =	sdelay $0x2  }
0xbc: {  	s31 =	sshll.u32 s1, $0xD;
	s1 =	sshrl.u32 s1, $0x2  }
0xbd: {  	s3 =	sand.u32 $0x4000, s31;
	s1 =	sadd.s32 s1, s30  }
0xbe: {  	s0 =	sor.u32 s3, s0;
	s1 =	sshll.u32 s1, $0x11  }
0xbf: {  	s0 =	sor.u32 s1, s0  }
0xc0: {  	s0 =	sadd.s32 $0x8F2B, s0  }
0xc1: {  	[sflag:s0] =	ssyncadd.remote.s32 $0x1  }
0xc2: {  	_ =	sfence.sel $0xFFFF  }
0xc3: {  	[dreg:$0x0] =	wrdreg $0xFFFFFFFF;
	(pc) =	sbr.abs _section_cstart, $3  }
0xc4: {  	[dreg:$0x1] =	wrdreg $0xFFFFFFFF  }
0xc5: {  	_ =	task.clear_ibuf [dreg:s9], $0x2FFFF;
	_ =	strace $0x9FFFFFFF  }
0xc6: {  	(tm) =	ssettm $0x7FFFFFFF  }
0xc7: {  	_ =	shalt  }
tec
execute0_lowered:
.L_overlay_start_1:
0x0: {  	(tag) =	ssettag $0x1  }
0x1: {  	s5 =	rddreg [dreg:$0x0]  }
0x2: {  	s6 =	rddreg [dreg:$0x1]  }
0x3: {  	s7 =	rddreg [dreg:$0x2]  }
0x4: {  	s1 =	rddreg [dreg:$0x3]  }
0x5: {  	s3 =	srdreg.scid;
	s0 =	rddreg [dreg:$0x4];
	s2 =	simm.s32 $0x0  }
0x6: {  	s14 =	simm.s32 $0x100;
	s8 =	sand.u32 $0x1, s3;
	[smem:$0x7FF] =	sst s2  }
0x7: {  	s3 =	stileid.u32;
	s4 =	ssub.s32 $0x2, s8;
	_ =	strace $0x80000047  }
0x8: {  	s12 =	sshll.u32 s3, $0xC;
	s10 =	sshll.u32 s8, $0xB;
	s11 =	sshll.u32 s3, $0xE  }
0x9: {  	s8 =	sshll.u32 s8, $0x4;
	s9 =	sshrl.u32 s4, $0x1;
	s10 =	sor.u32 s10, s12  }
0xa: {  	s13 =	sadd.s32 s7, s8;
	s8 =	simm.s32 $0xC000;
	s9 =	ssub.s32 s4, s9  }
0xb: {  	s4 =	sadd.s32 s11, s1;
	s5 =	sadd.s32 s5, s10;
	s6 =	sadd.s32 s6, s10  }
0xc: {  	s10 =	simm.s32 $0x4000;
	s11 =	simm.s32 $0x8000;
	s12 =	sadd.s32 s12, s13  }
0xd: {  	v0 =	vimm.f32 $0.0e+00;
	v1 =	vimm.f32 $1.000000000e+00;
	s13 =	simm.s32 $0x80;
	s7 =	smax.u32 s9, $0x1;
	s9 =	simm.s32 $0x1  }
.LBB2_1:
0xe: {  	s15 =	simm.s32 $0x40;
	s16 =	simm.s32 $0x0  }
.LBB2_2:
0xf: {  	p0 =	sne.s32 s15, $0xFFC0;
	[tilespmem:s16+$0xC000] =	vst v0;
	s16 =	smov.u32 s15;
	s15 =	sadd.s32 $0x40, s15  }
.Ltmp0:
0x10: {  	(pc) =	sbr.rel @p0 .LBB2_2-.Ltmp0, $2  }
0x11: {  	_ =	sdelay $0x2  }
0x12: {  	s16 =	sshra.s32 s16, $0x2  }
0x13: {  	[tilespmem:s16+$0xC000] =	vst v0  }
0x14: {  	[spmem:s4] =	stream.linear.scatter [tilespmem:s8], [sflag:$0x1], $0x4000, $0x38;
	[tilespmem:$0x14000] =	vst v63  }
0x15: {  	_ =	swait.ge [sflag:s9], $0x4000  }
0x16: {  	[sflag:s9] =	ssyncset.done $0x0  }
0x17: {  	[sflag:s9] =	ssyncadd.s32 $0xFFFFC000  }
0x18: {  	s15 =	simm.s32 $0x0;
	[bflag:$0x0] =	sbarrier.arrive $0xFFFF  }
0x19: {  	[tilespmem:s15], [sflag:$0x1] =	stream.linear.gather [hbm4b:s5+s15], $0x4000, $0x38;
	[tilespmem:$0x14000] =	vst v63  }
0x1a: {  	_ =	swait.ge [sflag:s9], $0x4000  }
0x1b: {  	[sflag:s9] =	ssyncset.done $0x0  }
0x1c: {  	[sflag:s9] =	ssyncadd.s32 $0xFFFFC000  }
0x1d: {  	[tilespmem:s10], [sflag:$0x1] =	stream.linear.gather [hbm4b:s6+s15], $0x4000, $0x38;
	[tilespmem:$0x14000] =	vst v63  }
0x1e: {  	_ =	swait.ge [sflag:s9], $0x4000  }
0x1f: {  	[sflag:s9] =	ssyncset.done $0x0  }
0x20: {  	s15 =	simm.s32 $0x0;
	[sflag:s9] =	ssyncadd.s32 $0xFFFFC000  }
0x21: {  	v2 =	vld [tilespmem:s15+$0x0]  }
0x22: {  	s16 =	simm.s32 $0x40;
	[tilespmem:s15+$0xC000] =	vst v1;
	v3 =	vld [tilespmem:s15+$0x4000]  }
.LBB2_4:
0x23: {  	p0 =	sne.s32 s16, $0xFFC0  }
.Ltmp1:
0x24: {  	_ = 	snop;
	(pc) =	sbr.rel @p0 .LBB2_4-.Ltmp1, $4  }
0x25: {  	_ = 	snop  }
0x26: {  	s17 =	sshra.s32 s16, $0x2;
	s16 =	sadd.s32 $0x40, s16;
	v4 =	vshll.u32 v2, $0x6  }
0x27: {  	v2 =	vld [tilespmem:s17+$0x0];
	[tilespmem:s17+$0xC000] =	vst v1;
	v4 =	vadd.s32 v3, v4  }
0x28: {  	v3 =	vld [tilespmem:s17+$0x4000];
	[tilespmem:s15+$0x8000] =	vst v4;
	s15 =	smov.u32 s17  }
0x29: {  	_ =	sdelay $0x2  }
0x2a: {  	v2 =	vshll.u32 v2, $0x6  }
0x2b: {  	v2 =	vadd.s32 v3, v2  }
0x2c: {  	[tilespmem:s15+$0x8000] =	vst v2  }
0x2d: {  	[spmem:s1] =	stream.indirect.scatter.add.f32 [tilespmem:s8], [sflag:$0x1], $0x1, s11, s10, $0xb8;
	[tilespmem:$0x14000] =	vst v63  }
0x2e: {  	_ =	swait.ge [sflag:s9], $0x4000  }
0x2f: {  	[sflag:s9] =	ssyncset.done $0x0  }
0x30: {  	[sflag:s9] =	ssyncadd.s32 $0xFFFFC000  }
0x31: {  	[bflag:$0x0] =	sbarrier.arrive $0xFFFF  }
0x32: {  	[tilespmem:s8], [sflag:$0x1] =	stream.linear.gather [spmem:s4], $0x4000, $0x38;
	[tilespmem:$0x14000] =	vst v63  }
0x33: {  	s2 =	sadd.s32 $0x1, s2;
	_ =	swait.ge [sflag:s9], $0x4000  }
0x34: {  	p0 =	sne.s32 s2, s7;
	[sflag:s9] =	ssyncset.done $0x0  }
.Ltmp2:
0x35: {  	[sflag:s9] =	ssyncadd.s32 $0xFFFFC000;
	(pc) =	sbr.rel @p0 .LBB2_1-.Ltmp2, $4  }
0x36: {  	[hbm4b:s12+s13] =	stream.strided.scatter [tilespmem:s8], [sflag:$0x1], $0x4000, s14, s13, $0x38;
	[tilespmem:$0x14000] =	vst v63  }
0x37: {  	_ =	swait.ge [sflag:s9], $0x4000  }
0x38: {  	[sflag:s9] =	ssyncset.done $0x0  }
0x39: {  	[sflag:s9] =	ssyncadd.s32 $0xFFFFC000  }
0x3a: {  	_ =	sfence.sel $0x180000  }
0x3b: {  	[bflag:$0x0] =	sbarrier.arrive $0xFFFF  }
0x3c: {  	p0 =	sne.s32 s3, $0x0;
	_ =	strace $0x90000047  }
0x3d: {  	s0 =	sadd.s32 @!p0 $0x100000, s0;
	[bflag:$0x2] =	sbarrier.arrive $0xFFFF  }
0x3e: {  	[sflag:s0] =	ssyncadd.tile.s32 @!p0 $0x1;
	_ =	shalt  }
.Lfunc_end2:
_tile_overlayer_lowered:
.L_overlay_start_2:
0x3f: {  	(tag) =	ssettag $0x2  }
0x40: {  	s0 =	rddreg [dreg:$0x0];
	s2 =	stileid.u32  }
0x41: {  	s1 =	rddreg [dreg:$0x1];
	p0 =	sne.s32 s2, $0x0  }
0x42: {  	s3 =	rddreg [dreg:$0x2];
	[bflag:$0x3] =	sbarrier.arrive $0xFFFF;
	s2 =	simm.s32 @!p0 $0x1C01  }
0x43: {  	[timem:s3], [sflag:s2] =	dma.local @!p0 [hbm:s0], s1  }
0x44: {  	s0 =	simm.s32 @!p0 $0x1  }
0x45: {  	_ =	swait.ge @!p0 [sflag:s0], s1  }
0x46: {  	s1 =	ssub.s32 @!p0 $0x0, s1;
	[sflag:s0] =	ssyncset.done @!p0 $0x0  }
0x47: {  	[sflag:s0] =	ssyncadd.s32 @!p0 s1  }
0x48: {  	[bflag:$0x3] =	sbarrier.arrive $0xFFFF  }
0x49: {  	_ =	shalt  }

</sc_bundles>
